<compile_context>
chip_gen: v7x
topology: tpu7x:2x2x1
jax: 0.10.2.dev20260603
libtpu: 0.0.44.dev20260713+nightly
codegen_flags: <defaults>
</compile_context>

<pallas_src>
import functools

import jax
import jax.numpy as jnp
from jax import lax
from jax.experimental import pallas as pl
from jax.experimental.pallas import tpu as pltpu
from jax.experimental.pallas import tpu_sc as plsc

NC = 2
NS = 16
NW = NC * NS
L = 16
CH = 128


def _cdiv(a, b):
    return (a + b - 1) // b


def _sc_mesh():
    return plsc.VectorSubcoreMesh(
        core_axis_name="c", subcore_axis_name="s",
        num_cores=NC, num_subcores=NS)


def _make_deg_kernel(n_pad, chunks):
    rows_per = n_pad // NS

    def body(idx_hbm, z_hbm, ones_hbm, out_hbm, idx_v, ones_v, deg_sh):
        c = lax.axis_index("c")
        s = lax.axis_index("s")
        base = s * rows_per
        pltpu.sync_copy(z_hbm, deg_sh.at[pl.ds(base, rows_per)])
        pltpu.sync_copy(ones_hbm, ones_v)
        pltpu.sync_copy(idx_hbm.at[c, s], idx_v)
        plsc.subcore_barrier()

        def step(j, carry):
            pltpu.sync_copy(ones_v, deg_sh.at[idx_v.at[j]], add=True)
            return carry

        lax.fori_loop(0, chunks, step, 0)
        plsc.subcore_barrier()
        pltpu.sync_copy(deg_sh.at[pl.ds(base, rows_per)],
                        out_hbm.at[c, pl.ds(base, rows_per)])

    return pl.kernel(
        body,
        out_type=jax.ShapeDtypeStruct((NC, n_pad, 128), jnp.float32),
        mesh=_sc_mesh(),
        scratch_types=[
            pltpu.VMEM((chunks, CH), jnp.int32),
            pltpu.VMEM((CH, 128), jnp.float32),
            pltpu.VMEM_SHARED((n_pad, 128), jnp.float32),
        ],
    )


def _make_agg_kernel(n_pad, d, chunks):
    rows_per = n_pad // NS
    p0 = _cdiv(_cdiv(chunks, 2), 8) * 8
    passes = [(0, p0), (p0, chunks - p0)]
    win = max(m for _, m in passes)
    assert all(m >= 2 for _, m in passes)

    def body(feat_hbm, src_hbm, dst_hbm, z_hbm, out_hbm,
             src_v, dst_v, row0_v, row1_v, agg_sh, sem0, sem1):
        c = lax.axis_index("c")
        s = lax.axis_index("s")
        w = c * NS + s
        base = s * rows_per
        pltpu.sync_copy(z_hbm, agg_sh.at[pl.ds(base, rows_per)])
        plsc.subcore_barrier()

        for off, m in passes:
            pltpu.sync_copy(src_hbm.at[w, pl.ds(off, m)],
                            src_v.at[pl.ds(0, m)])
            pltpu.sync_copy(dst_hbm.at[w, pl.ds(off, m)],
                            dst_v.at[pl.ds(0, m)])
            pltpu.async_copy(feat_hbm.at[src_v.at[0]], row0_v, sem0)

            def step(jj, carry):
                j0 = 2 * jj
                pltpu.make_async_copy(feat_hbm.at[src_v.at[j0]], row0_v,
                                      sem0).wait()
                pltpu.async_copy(feat_hbm.at[src_v.at[j0 + 1]], row1_v, sem1)
                pltpu.sync_copy(row0_v, agg_sh.at[dst_v.at[j0]], add=True)
                pltpu.make_async_copy(feat_hbm.at[src_v.at[j0 + 1]], row1_v,
                                      sem1).wait()
                pltpu.async_copy(feat_hbm.at[src_v.at[j0 + 2]], row0_v, sem0)
                pltpu.sync_copy(row1_v, agg_sh.at[dst_v.at[j0 + 1]],
                                add=True)
                return carry

            lax.fori_loop(0, (m - 1) // 2, step, 0)
            if m % 2 == 1:
                pltpu.make_async_copy(feat_hbm.at[src_v.at[m - 1]], row0_v,
                                      sem0).wait()
                pltpu.sync_copy(row0_v, agg_sh.at[dst_v.at[m - 1]], add=True)
            else:
                pltpu.make_async_copy(feat_hbm.at[src_v.at[m - 2]], row0_v,
                                      sem0).wait()
                pltpu.async_copy(feat_hbm.at[src_v.at[m - 1]], row1_v, sem1)
                pltpu.sync_copy(row0_v, agg_sh.at[dst_v.at[m - 2]], add=True)
                pltpu.make_async_copy(feat_hbm.at[src_v.at[m - 1]], row1_v,
                                      sem1).wait()
                pltpu.sync_copy(row1_v, agg_sh.at[dst_v.at[m - 1]], add=True)

        plsc.subcore_barrier()
        pltpu.sync_copy(agg_sh.at[pl.ds(base, rows_per)],
                        out_hbm.at[c, pl.ds(base, rows_per)])

    return pl.kernel(
        body,
        out_type=jax.ShapeDtypeStruct((NC, n_pad, d), jnp.float32),
        mesh=_sc_mesh(),
        scratch_types=[
            pltpu.VMEM((win, CH), jnp.int32),
            pltpu.VMEM((win, CH), jnp.int32),
            pltpu.VMEM((CH, d), jnp.float32),
            pltpu.VMEM((CH, d), jnp.float32),
            pltpu.VMEM_SHARED((n_pad, d), jnp.float32),
            pltpu.SemaphoreType.DMA,
            pltpu.SemaphoreType.DMA,
        ],
    )


def _scale_body(f_ref, d_ref, o_ref):
    deg = jnp.maximum(d_ref[...][:, 0:1], 1.0)
    o_ref[...] = f_ref[...] * lax.rsqrt(deg)


def _out_body(a_ref, d_ref, w_ref, o_ref):
    ssum = a_ref[0] + a_ref[1]
    res = jnp.dot(ssum, w_ref[...], preferred_element_type=jnp.float32)
    deg = jnp.maximum(d_ref[...][:, 0:1], 1.0)
    o_ref[...] = res * lax.rsqrt(deg)


def kernel(feat, edge_index, return_elist, W):
    n, d = feat.shape
    d_out = W.shape[1]
    e = edge_index.shape[1]
    n_pad = _cdiv(n + 1, NS * 8) * NS * 8
    rows_per = n_pad // NS
    chunks1 = _cdiv(e, NS * CH)
    chunks3 = _cdiv(e, NW * CH)
    e1 = chunks1 * NS * CH
    e3 = chunks3 * NW * CH

    src = edge_index[0]
    dst = edge_index[1]
    pad1 = jnp.full((e1 - e,), n, jnp.int32)
    pad3 = jnp.full((e3 - e,), n, jnp.int32)
    src1 = jnp.concatenate([src, pad1]).reshape(NS, chunks1, CH)
    dst1 = jnp.concatenate([dst, pad1]).reshape(NS, chunks1, CH)
    idx1 = jnp.stack([src1, dst1])
    src3 = jnp.concatenate([src, pad3]).reshape(NW, chunks3, CH)
    dst3 = jnp.concatenate([dst, pad3]).reshape(NW, chunks3, CH)

    zeros_l = jnp.zeros((rows_per, 128), jnp.float32)
    ones_l = jnp.ones((CH, 128), jnp.float32)
    zeros_d = jnp.zeros((rows_per, d), jnp.float32)

    degs = _make_deg_kernel(n_pad, chunks1)(idx1, zeros_l, ones_l)

    feat_pad = jnp.zeros((n_pad, d), feat.dtype).at[:n].set(feat)
    feat_src = pl.pallas_call(
        _scale_body,
        out_shape=jax.ShapeDtypeStruct((n_pad, d), jnp.float32),
    )(feat_pad, degs[0])

    agg2 = _make_agg_kernel(n_pad, d, chunks3)(feat_src, src3, dst3, zeros_d)

    rst = pl.pallas_call(
        _out_body,
        out_shape=jax.ShapeDtypeStruct((n_pad, d_out), jnp.float32),
    )(agg2, degs[1], W)
    return rst[:n]

# --- scband reference (transcript-rebuilt; emitter-appended) ---
"""Pipeline reference for scband-twpgraph-conv-37056977830254 (READ-ONLY COPY).

The authoritative reference and input builder live on the scoring server;
editing this copy changes nothing except your own understanding.
"""

import jax, jax.numpy as jnp
import numpy as np

N = 10000
E = 320000
D_IN = 128
D_OUT = 128


def setup_inputs(seed: int = 0) -> dict:
    key = jax.random.key(seed)
    k1, k2, k3 = jax.random.split(key, 3)
    feat = jax.random.normal(k1, (N, D_IN), dtype=jnp.float32)
    edge_index = jax.random.randint(k2, (2, E), 0, N, dtype=jnp.int32)
    # xavier_uniform for weight [in_feats, out_feats]
    limit = float(np.sqrt(6.0 / (D_IN + D_OUT)))
    W = jax.random.uniform(k3, (D_IN, D_OUT), minval=-limit, maxval=limit, dtype=jnp.float32)
    return {"feat": feat, "edge_index": edge_index, "return_elist": 0, "W": W}


def reference(feat, edge_index, return_elist, W):
    # TWPGraphConv forward with norm='both', weight=True, bias=False,
    # activation=None, return_elist=False, in_feats == out_feats (else-branch:
    # aggregate first, then matmul).
    src = edge_index[0]
    dst = edge_index[1]
    n = feat.shape[0]
    ones = jnp.ones((edge_index.shape[1],), dtype=jnp.float32)
    # left norm: out-degree^{-1/2} on source features
    out_degs = jnp.maximum(jax.ops.segment_sum(ones, src, num_segments=n), 1.0)
    feat_src = feat * (out_degs ** -0.5)[:, None]
    # copy_u + sum aggregation (gather over src, scatter-add onto dst)
    msgs = jnp.take(feat_src, src, axis=0)
    agg = jax.ops.segment_sum(msgs, dst, num_segments=n)
    # in_feats <= out_feats: matmul after aggregation
    rst = agg @ W
    # right norm: in-degree^{-1/2} on destination features
    in_degs = jnp.maximum(jax.ops.segment_sum(ones, dst, num_segments=n), 1.0)
    rst = rst * (in_degs ** -0.5)[:, None]
    return rst

if __name__ == "__main__":
    import jax
    _d = setup_inputs()
    print(jax.jit(kernel)(*tuple(_d.values())))

</pallas_src>

<mosaic_0001>
#map = affine_map<(d0, d1) -> (0, 0, 0, 0)>
#map1 = affine_map<(d0, d1) -> (0, 0)>
#map2 = affine_map<(d0, d1) -> (0, 0, 0)>
module attributes {stable_mosaic.version = 14 : i64} {
  func.func @body(%arg0: i32, %arg1: i32, %arg2: memref<2x16x157x128xi32, #tpu.memory_space<hbm>>, %arg3: memref<632x128xf32, #tpu.memory_space<hbm>>, %arg4: memref<128x128xf32, #tpu.memory_space<hbm>>, %arg5: memref<2x10112x128xf32, #tpu.memory_space<hbm>>, %arg6: memref<157x128xi32, #tpu.memory_space<vmem>>, %arg7: memref<128x128xf32, #tpu.memory_space<vmem>>, %arg8: memref<10112x128xf32, #tpu.memory_space<vmem_shared>>) attributes {dimension_semantics = [#tpu.dimension_semantics<core_parallel>, #tpu.dimension_semantics<subcore_parallel>], iteration_bounds = array<i64: 2, 16>, scalar_prefetch = 0 : i64, scratch_operands = 3 : i64, tpu.core_type = #tpu.core_type<sc_vector_subcore>, window_params = [{transform_indices = #map}, {transform_indices = #map1}, {transform_indices = #map1}, {transform_indices = #map2}]} {
    %mul3A = arith.constant 632 : i32
    %mul3A_0 = arith.muli %arg1, %mul3A : i32
    "tpu.region"() ({
      %run_scoped3A = tpu.sem_alloc : memref<!tpu.dma_semaphore, #tpu.memory_space<semaphore_mem>>
      %dma_start3A = arith.constant 0 : i32
      %dma_start3A_7 = tpu.memref_slice %arg8[%mul3A_0, %dma_start3A] : memref<10112x128xf32, #tpu.memory_space<vmem_shared>> -> memref<632x128xf32, #tpu.memory_space<vmem_shared>>
      tpu.enqueue_dma source(%arg3 : memref<632x128xf32, #tpu.memory_space<hbm>>) target(%dma_start3A_7 : memref<632x128xf32, #tpu.memory_space<vmem_shared>>) target_semaphore(%run_scoped3A : memref<!tpu.dma_semaphore, #tpu.memory_space<semaphore_mem>>)
      %dma_wait3A = arith.constant 0 : i32
      %dma_wait3A_8 = tpu.memref_slice %arg8[%mul3A_0, %dma_wait3A] : memref<10112x128xf32, #tpu.memory_space<vmem_shared>> -> memref<632x128xf32, #tpu.memory_space<vmem_shared>>
      tpu.wait_dma2 semaphore(%run_scoped3A : memref<!tpu.dma_semaphore, #tpu.memory_space<semaphore_mem>>) src(%arg3 : memref<632x128xf32, #tpu.memory_space<hbm>>) dst(%dma_wait3A_8 : memref<632x128xf32, #tpu.memory_space<vmem_shared>>)
      tpu.yield
    }) : () -> ()
    "tpu.region"() ({
      %run_scoped3A = tpu.sem_alloc : memref<!tpu.dma_semaphore, #tpu.memory_space<semaphore_mem>>
      tpu.enqueue_dma source(%arg4 : memref<128x128xf32, #tpu.memory_space<hbm>>) target(%arg7 : memref<128x128xf32, #tpu.memory_space<vmem>>) target_semaphore(%run_scoped3A : memref<!tpu.dma_semaphore, #tpu.memory_space<semaphore_mem>>)
      tpu.wait_dma2 semaphore(%run_scoped3A : memref<!tpu.dma_semaphore, #tpu.memory_space<semaphore_mem>>) src(%arg4 : memref<128x128xf32, #tpu.memory_space<hbm>>) dst(%arg7 : memref<128x128xf32, #tpu.memory_space<vmem>>)
      tpu.yield
    }) : () -> ()
    "tpu.region"() ({
      %run_scoped3A = tpu.sem_alloc : memref<!tpu.dma_semaphore, #tpu.memory_space<semaphore_mem>>
      %dma_start3A = arith.constant 0 : i32
      %dma_start3A_7 = arith.constant 0 : i32
      %dma_start3A_8 = tpu.memref_slice %arg2[%arg0, %arg1, %dma_start3A, %dma_start3A_7] : memref<2x16x157x128xi32, #tpu.memory_space<hbm>> -> memref<1x1x157x128xi32, #tpu.memory_space<hbm>>
      %dma_start3A_9 = tpu.memref_squeeze %dma_start3A_8 : memref<1x1x157x128xi32, #tpu.memory_space<hbm>> -> memref<157x128xi32, #tpu.memory_space<hbm>>
      %dma_start3A_10 = arith.constant 0 : i32
      %dma_start3A_11 = arith.constant 0 : i32
      %dma_start3A_12 = tpu.memref_slice %arg2[%arg0, %arg1, %dma_start3A_10, %dma_start3A_11] : memref<2x16x157x128xi32, #tpu.memory_space<hbm>> -> memref<1x1x157x128xi32, #tpu.memory_space<hbm>>
      %dma_start3A_13 = tpu.memref_squeeze %dma_start3A_12 : memref<1x1x157x128xi32, #tpu.memory_space<hbm>> -> memref<157x128xi32, #tpu.memory_space<hbm>>
      tpu.enqueue_dma source(%dma_start3A_13 : memref<157x128xi32, #tpu.memory_space<hbm>>) target(%arg6 : memref<157x128xi32, #tpu.memory_space<vmem>>) target_semaphore(%run_scoped3A : memref<!tpu.dma_semaphore, #tpu.memory_space<semaphore_mem>>)
      %dma_wait3A = arith.constant 0 : i32
      %dma_wait3A_14 = arith.constant 0 : i32
      %dma_wait3A_15 = tpu.memref_slice %arg2[%arg0, %arg1, %dma_wait3A, %dma_wait3A_14] : memref<2x16x157x128xi32, #tpu.memory_space<hbm>> -> memref<1x1x157x128xi32, #tpu.memory_space<hbm>>
      %dma_wait3A_16 = tpu.memref_squeeze %dma_wait3A_15 : memref<1x1x157x128xi32, #tpu.memory_space<hbm>> -> memref<157x128xi32, #tpu.memory_space<hbm>>
      %dma_wait3A_17 = arith.constant 0 : i32
      %dma_wait3A_18 = arith.constant 0 : i32
      %dma_wait3A_19 = tpu.memref_slice %arg2[%arg0, %arg1, %dma_wait3A_17, %dma_wait3A_18] : memref<2x16x157x128xi32, #tpu.memory_space<hbm>> -> memref<1x1x157x128xi32, #tpu.memory_space<hbm>>
      %dma_wait3A_20 = tpu.memref_squeeze %dma_wait3A_19 : memref<1x1x157x128xi32, #tpu.memory_space<hbm>> -> memref<157x128xi32, #tpu.memory_space<hbm>>
      tpu.wait_dma2 semaphore(%run_scoped3A : memref<!tpu.dma_semaphore, #tpu.memory_space<semaphore_mem>>) src(%dma_wait3A_20 : memref<157x128xi32, #tpu.memory_space<hbm>>) dst(%arg6 : memref<157x128xi32, #tpu.memory_space<vmem>>)
      tpu.yield
    }) : () -> ()
    %barrier3A = arith.constant 0 : index
    tpu.barrier barrier_id(%barrier3A)
    %scan3A = arith.constant 0 : i32
    %scan3A_1 = arith.constant 0 : i32
    %scan3A_2 = arith.constant 157 : i32
    %scan3A_3 = arith.addi %scan3A_1, %scan3A_2 : i32
    %scan3A_4 = arith.constant 1 : i32
    scf.for %scan3A_7 = %scan3A_1 to %scan3A_3 step %scan3A_4  : i32 {
      "tpu.region"() ({
        %run_scoped3A = tpu.sem_alloc : memref<!tpu.dma_semaphore, #tpu.memory_space<semaphore_mem>>
        %dma_start3A = arith.constant 0 : i32
        %dma_start3A_8 = tpu.memref_slice %arg6[%scan3A_7, %dma_start3A] : memref<157x128xi32, #tpu.memory_space<vmem>> -> memref<1x128xi32, #tpu.memory_space<vmem>>
        %dma_start3A_9 = tpu.memref_squeeze %dma_start3A_8 : memref<1x128xi32, #tpu.memory_space<vmem>> -> memref<128xi32, #tpu.memory_space<vmem>>
        %dma_start3A_10 = arith.constant 0 : i32
        %dma_start3A_11 = arith.constant 0 : i32
        %dma_start3A_12 = tpu.memref_slice %arg8[%dma_start3A_10, %dma_start3A_11] : memref<10112x128xf32, #tpu.memory_space<vmem_shared>> -> memref<10112x128xf32, #tpu.memory_space<vmem_shared>>
        tpu.enqueue_indirect_dma source(%arg7 : memref<128x128xf32, #tpu.memory_space<vmem>>) target(%dma_start3A_12 : memref<10112x128xf32, #tpu.memory_space<vmem_shared>>) offsets(%dma_start3A_9 : memref<128xi32, #tpu.memory_space<vmem>>) semaphore(%run_scoped3A : memref<!tpu.dma_semaphore, #tpu.memory_space<semaphore_mem>>) {add = true}
        %dma_wait3A = arith.constant 0 : i32
        %dma_wait3A_13 = tpu.memref_slice %arg6[%scan3A_7, %dma_wait3A] : memref<157x128xi32, #tpu.memory_space<vmem>> -> memref<1x128xi32, #tpu.memory_space<vmem>>
        %dma_wait3A_14 = tpu.memref_squeeze %dma_wait3A_13 : memref<1x128xi32, #tpu.memory_space<vmem>> -> memref<128xi32, #tpu.memory_space<vmem>>
        %dma_wait3A_15 = arith.constant 0 : i32
        %dma_wait3A_16 = arith.constant 0 : i32
        %dma_wait3A_17 = tpu.memref_slice %arg8[%dma_wait3A_15, %dma_wait3A_16] : memref<10112x128xf32, #tpu.memory_space<vmem_shared>> -> memref<10112x128xf32, #tpu.memory_space<vmem_shared>>
        tpu.wait_indirect_dma semaphore(%run_scoped3A : memref<!tpu.dma_semaphore, #tpu.memory_space<semaphore_mem>>) src(%arg7 : memref<128x128xf32, #tpu.memory_space<vmem>>) dst(%dma_wait3A_17 : memref<10112x128xf32, #tpu.memory_space<vmem_shared>>)
        tpu.yield
      }) : () -> ()
    }
    %scan3A_5 = arith.constant 157 : i32
    %barrier3A_6 = arith.constant 0 : index
    tpu.barrier barrier_id(%barrier3A_6)
    "tpu.region"() ({
      %run_scoped3A = tpu.sem_alloc : memref<!tpu.dma_semaphore, #tpu.memory_space<semaphore_mem>>
      %dma_start3A = arith.constant 0 : i32
      %dma_start3A_7 = tpu.memref_slice %arg5[%arg0, %mul3A_0, %dma_start3A] : memref<2x10112x128xf32, #tpu.memory_space<hbm>> -> memref<1x632x128xf32, #tpu.memory_space<hbm>>
      %dma_start3A_8 = tpu.memref_squeeze %dma_start3A_7 : memref<1x632x128xf32, #tpu.memory_space<hbm>> -> memref<632x128xf32, #tpu.memory_space<hbm>>
      %dma_start3A_9 = arith.constant 0 : i32
      %dma_start3A_10 = tpu.memref_slice %arg8[%mul3A_0, %dma_start3A_9] : memref<10112x128xf32, #tpu.memory_space<vmem_shared>> -> memref<632x128xf32, #tpu.memory_space<vmem_shared>>
      tpu.enqueue_dma source(%dma_start3A_10 : memref<632x128xf32, #tpu.memory_space<vmem_shared>>) target(%dma_start3A_8 : memref<632x128xf32, #tpu.memory_space<hbm>>) target_semaphore(%run_scoped3A : memref<!tpu.dma_semaphore, #tpu.memory_space<semaphore_mem>>)
      %dma_wait3A = arith.constant 0 : i32
      %dma_wait3A_11 = tpu.memref_slice %arg5[%arg0, %mul3A_0, %dma_wait3A] : memref<2x10112x128xf32, #tpu.memory_space<hbm>> -> memref<1x632x128xf32, #tpu.memory_space<hbm>>
      %dma_wait3A_12 = tpu.memref_squeeze %dma_wait3A_11 : memref<1x632x128xf32, #tpu.memory_space<hbm>> -> memref<632x128xf32, #tpu.memory_space<hbm>>
      %dma_wait3A_13 = arith.constant 0 : i32
      %dma_wait3A_14 = tpu.memref_slice %arg8[%mul3A_0, %dma_wait3A_13] : memref<10112x128xf32, #tpu.memory_space<vmem_shared>> -> memref<632x128xf32, #tpu.memory_space<vmem_shared>>
      tpu.wait_dma2 semaphore(%run_scoped3A : memref<!tpu.dma_semaphore, #tpu.memory_space<semaphore_mem>>) src(%dma_wait3A_14 : memref<632x128xf32, #tpu.memory_space<vmem_shared>>) dst(%dma_wait3A_12 : memref<632x128xf32, #tpu.memory_space<hbm>>)
      tpu.yield
    }) : () -> ()
    return
  }
}

#map = affine_map<(d0, d1) -> (0, 0)>
#map1 = affine_map<(d0, d1) -> (0, 0, 0)>
module attributes {stable_mosaic.version = 14 : i64} {
  func.func @body(%arg0: i32, %arg1: i32, %arg2: memref<10112x128xf32, #tpu.memory_space<hbm>>, %arg3: memref<32x79x128xi32, #tpu.memory_space<hbm>>, %arg4: memref<32x79x128xi32, #tpu.memory_space<hbm>>, %arg5: memref<632x128xf32, #tpu.memory_space<hbm>>, %arg6: memref<2x10112x128xf32, #tpu.memory_space<hbm>>, %arg7: memref<40x128xi32, #tpu.memory_space<vmem>>, %arg8: memref<40x128xi32, #tpu.memory_space<vmem>>, %arg9: memref<128x128xf32, #tpu.memory_space<vmem>>, %arg10: memref<128x128xf32, #tpu.memory_space<vmem>>, %arg11: memref<10112x128xf32, #tpu.memory_space<vmem_shared>>, %arg12: memref<!tpu.dma_semaphore, #tpu.memory_space<semaphore_mem>>, %arg13: memref<!tpu.dma_semaphore, #tpu.memory_space<semaphore_mem>>) attributes {dimension_semantics = [#tpu.dimension_semantics<core_parallel>, #tpu.dimension_semantics<subcore_parallel>], iteration_bounds = array<i64: 2, 16>, scalar_prefetch = 0 : i64, scratch_operands = 7 : i64, tpu.core_type = #tpu.core_type<sc_vector_subcore>, window_params = [{transform_indices = #map}, {transform_indices = #map1}, {transform_indices = #map1}, {transform_indices = #map}, {transform_indices = #map1}]} {
    %mul3A = arith.constant 16 : i32
    %mul3A_0 = arith.muli %arg0, %mul3A : i32
    %add3A = arith.addi %mul3A_0, %arg1 : i32
    %mul3A_1 = arith.constant 632 : i32
    %mul3A_2 = arith.muli %arg1, %mul3A_1 : i32
    "tpu.region"() ({
      %run_scoped3A_57 = tpu.sem_alloc : memref<!tpu.dma_semaphore, #tpu.memory_space<semaphore_mem>>
      %dma_start3A_58 = arith.constant 0 : i32
      %dma_start3A_59 = tpu.memref_slice %arg11[%mul3A_2, %dma_start3A_58] : memref<10112x128xf32, #tpu.memory_space<vmem_shared>> -> memref<632x128xf32, #tpu.memory_space<vmem_shared>>
      tpu.enqueue_dma source(%arg5 : memref<632x128xf32, #tpu.memory_space<hbm>>) target(%dma_start3A_59 : memref<632x128xf32, #tpu.memory_space<vmem_shared>>) target_semaphore(%run_scoped3A_57 : memref<!tpu.dma_semaphore, #tpu.memory_space<semaphore_mem>>)
      %dma_wait3A_60 = arith.constant 0 : i32
      %dma_wait3A_61 = tpu.memref_slice %arg11[%mul3A_2, %dma_wait3A_60] : memref<10112x128xf32, #tpu.memory_space<vmem_shared>> -> memref<632x128xf32, #tpu.memory_space<vmem_shared>>
      tpu.wait_dma2 semaphore(%run_scoped3A_57 : memref<!tpu.dma_semaphore, #tpu.memory_space<semaphore_mem>>) src(%arg5 : memref<632x128xf32, #tpu.memory_space<hbm>>) dst(%dma_wait3A_61 : memref<632x128xf32, #tpu.memory_space<vmem_shared>>)
      tpu.yield
    }) : () -> ()
    %barrier3A = arith.constant 0 : index
    tpu.barrier barrier_id(%barrier3A)
    "tpu.region"() ({
      %run_scoped3A_57 = tpu.sem_alloc : memref<!tpu.dma_semaphore, #tpu.memory_space<semaphore_mem>>
      %dma_start3A_58 = arith.constant 0 : i32
      %dma_start3A_59 = arith.constant 0 : i32
      %dma_start3A_60 = tpu.memref_slice %arg7[%dma_start3A_58, %dma_start3A_59] : memref<40x128xi32, #tpu.memory_space<vmem>> -> memref<40x128xi32, #tpu.memory_space<vmem>>
      %dma_start3A_61 = arith.constant 0 : i32
      %dma_start3A_62 = arith.constant 0 : i32
      %dma_start3A_63 = tpu.memref_slice %arg3[%add3A, %dma_start3A_61, %dma_start3A_62] : memref<32x79x128xi32, #tpu.memory_space<hbm>> -> memref<1x40x128xi32, #tpu.memory_space<hbm>>
      %dma_start3A_64 = tpu.memref_squeeze %dma_start3A_63 : memref<1x40x128xi32, #tpu.memory_space<hbm>> -> memref<40x128xi32, #tpu.memory_space<hbm>>
      %dma_start3A_65 = arith.constant 0 : i32
      %dma_start3A_66 = arith.constant 0 : i32
      %dma_start3A_67 = tpu.memref_slice %arg7[%dma_start3A_65, %dma_start3A_66] : memref<40x128xi32, #tpu.memory_space<vmem>> -> memref<40x128xi32, #tpu.memory_space<vmem>>
      %dma_start3A_68 = arith.constant 0 : i32
      %dma_start3A_69 = arith.constant 0 : i32
      %dma_start3A_70 = tpu.memref_slice %arg3[%add3A, %dma_start3A_68, %dma_start3A_69] : memref<32x79x128xi32, #tpu.memory_space<hbm>> -> memref<1x40x128xi32, #tpu.memory_space<hbm>>
      %dma_start3A_71 = tpu.memref_squeeze %dma_start3A_70 : memref<1x40x128xi32, #tpu.memory_space<hbm>> -> memref<40x128xi32, #tpu.memory_space<hbm>>
      tpu.enqueue_dma source(%dma_start3A_71 : memref<40x128xi32, #tpu.memory_space<hbm>>) target(%dma_start3A_67 : memref<40x128xi32, #tpu.memory_space<vmem>>) target_semaphore(%run_scoped3A_57 : memref<!tpu.dma_semaphore, #tpu.memory_space<semaphore_mem>>)
      %dma_wait3A_72 = arith.constant 0 : i32
      %dma_wait3A_73 = arith.constant 0 : i32
      %dma_wait3A_74 = tpu.memref_slice %arg7[%dma_wait3A_72, %dma_wait3A_73] : memref<40x128xi32, #tpu.memory_space<vmem>> -> memref<40x128xi32, #tpu.memory_space<vmem>>
      %dma_wait3A_75 = arith.constant 0 : i32
      %dma_wait3A_76 = arith.constant 0 : i32
      %dma_wait3A_77 = tpu.memref_slice %arg3[%add3A, %dma_wait3A_75, %dma_wait3A_76] : memref<32x79x128xi32, #tpu.memory_space<hbm>> -> memref<1x40x128xi32, #tpu.memory_space<hbm>>
      %dma_wait3A_78 = tpu.memref_squeeze %dma_wait3A_77 : memref<1x40x128xi32, #tpu.memory_space<hbm>> -> memref<40x128xi32, #tpu.memory_space<hbm>>
      %dma_wait3A_79 = arith.constant 0 : i32
      %dma_wait3A_80 = arith.constant 0 : i32
      %dma_wait3A_81 = tpu.memref_slice %arg7[%dma_wait3A_79, %dma_wait3A_80] : memref<40x128xi32, #tpu.memory_space<vmem>> -> memref<40x128xi32, #tpu.memory_space<vmem>>
      %dma_wait3A_82 = arith.constant 0 : i32
      %dma_wait3A_83 = arith.constant 0 : i32
      %dma_wait3A_84 = tpu.memref_slice %arg3[%add3A, %dma_wait3A_82, %dma_wait3A_83] : memref<32x79x128xi32, #tpu.memory_space<hbm>> -> memref<1x40x128xi32, #tpu.memory_space<hbm>>
      %dma_wait3A_85 = tpu.memref_squeeze %dma_wait3A_84 : memref<1x40x128xi32, #tpu.memory_space<hbm>> -> memref<40x128xi32, #tpu.memory_space<hbm>>
      tpu.wait_dma2 semaphore(%run_scoped3A_57 : memref<!tpu.dma_semaphore, #tpu.memory_space<semaphore_mem>>) src(%dma_wait3A_85 : memref<40x128xi32, #tpu.memory_space<hbm>>) dst(%dma_wait3A_81 : memref<40x128xi32, #tpu.memory_space<vmem>>)
      tpu.yield
    }) : () -> ()
    "tpu.region"() ({
      %run_scoped3A_57 = tpu.sem_alloc : memref<!tpu.dma_semaphore, #tpu.memory_space<semaphore_mem>>
      %dma_start3A_58 = arith.constant 0 : i32
      %dma_start3A_59 = arith.constant 0 : i32
      %dma_start3A_60 = tpu.memref_slice %arg8[%dma_start3A_58, %dma_start3A_59] : memref<40x128xi32, #tpu.memory_space<vmem>> -> memref<40x128xi32, #tpu.memory_space<vmem>>
      %dma_start3A_61 = arith.constant 0 : i32
      %dma_start3A_62 = arith.constant 0 : i32
      %dma_start3A_63 = tpu.memref_slice %arg4[%add3A, %dma_start3A_61, %dma_start3A_62] : memref<32x79x128xi32, #tpu.memory_space<hbm>> -> memref<1x40x128xi32, #tpu.memory_space<hbm>>
      %dma_start3A_64 = tpu.memref_squeeze %dma_start3A_63 : memref<1x40x128xi32, #tpu.memory_space<hbm>> -> memref<40x128xi32, #tpu.memory_space<hbm>>
      %dma_start3A_65 = arith.constant 0 : i32
      %dma_start3A_66 = arith.constant 0 : i32
      %dma_start3A_67 = tpu.memref_slice %arg8[%dma_start3A_65, %dma_start3A_66] : memref<40x128xi32, #tpu.memory_space<vmem>> -> memref<40x128xi32, #tpu.memory_space<vmem>>
      %dma_start3A_68 = arith.constant 0 : i32
      %dma_start3A_69 = arith.constant 0 : i32
      %dma_start3A_70 = tpu.memref_slice %arg4[%add3A, %dma_start3A_68, %dma_start3A_69] : memref<32x79x128xi32, #tpu.memory_space<hbm>> -> memref<1x40x128xi32, #tpu.memory_space<hbm>>
      %dma_start3A_71 = tpu.memref_squeeze %dma_start3A_70 : memref<1x40x128xi32, #tpu.memory_space<hbm>> -> memref<40x128xi32, #tpu.memory_space<hbm>>
      tpu.enqueue_dma source(%dma_start3A_71 : memref<40x128xi32, #tpu.memory_space<hbm>>) target(%dma_start3A_67 : memref<40x128xi32, #tpu.memory_space<vmem>>) target_semaphore(%run_scoped3A_57 : memref<!tpu.dma_semaphore, #tpu.memory_space<semaphore_mem>>)
      %dma_wait3A_72 = arith.constant 0 : i32
      %dma_wait3A_73 = arith.constant 0 : i32
      %dma_wait3A_74 = tpu.memref_slice %arg8[%dma_wait3A_72, %dma_wait3A_73] : memref<40x128xi32, #tpu.memory_space<vmem>> -> memref<40x128xi32, #tpu.memory_space<vmem>>
      %dma_wait3A_75 = arith.constant 0 : i32
      %dma_wait3A_76 = arith.constant 0 : i32
      %dma_wait3A_77 = tpu.memref_slice %arg4[%add3A, %dma_wait3A_75, %dma_wait3A_76] : memref<32x79x128xi32, #tpu.memory_space<hbm>> -> memref<1x40x128xi32, #tpu.memory_space<hbm>>
      %dma_wait3A_78 = tpu.memref_squeeze %dma_wait3A_77 : memref<1x40x128xi32, #tpu.memory_space<hbm>> -> memref<40x128xi32, #tpu.memory_space<hbm>>
      %dma_wait3A_79 = arith.constant 0 : i32
      %dma_wait3A_80 = arith.constant 0 : i32
      %dma_wait3A_81 = tpu.memref_slice %arg8[%dma_wait3A_79, %dma_wait3A_80] : memref<40x128xi32, #tpu.memory_space<vmem>> -> memref<40x128xi32, #tpu.memory_space<vmem>>
      %dma_wait3A_82 = arith.constant 0 : i32
      %dma_wait3A_83 = arith.constant 0 : i32
      %dma_wait3A_84 = tpu.memref_slice %arg4[%add3A, %dma_wait3A_82, %dma_wait3A_83] : memref<32x79x128xi32, #tpu.memory_space<hbm>> -> memref<1x40x128xi32, #tpu.memory_space<hbm>>
      %dma_wait3A_85 = tpu.memref_squeeze %dma_wait3A_84 : memref<1x40x128xi32, #tpu.memory_space<hbm>> -> memref<40x128xi32, #tpu.memory_space<hbm>>
      tpu.wait_dma2 semaphore(%run_scoped3A_57 : memref<!tpu.dma_semaphore, #tpu.memory_space<semaphore_mem>>) src(%dma_wait3A_85 : memref<40x128xi32, #tpu.memory_space<hbm>>) dst(%dma_wait3A_81 : memref<40x128xi32, #tpu.memory_space<vmem>>)
      tpu.yield
    }) : () -> ()
    %dma_start3A = arith.constant 0 : i32
    %dma_start3A_3 = arith.constant 0 : i32
    %dma_start3A_4 = tpu.memref_slice %arg7[%dma_start3A, %dma_start3A_3] : memref<40x128xi32, #tpu.memory_space<vmem>> -> memref<1x128xi32, #tpu.memory_space<vmem>>
    %dma_start3A_5 = tpu.memref_squeeze %dma_start3A_4 : memref<1x128xi32, #tpu.memory_space<vmem>> -> memref<128xi32, #tpu.memory_space<vmem>>
    %dma_start3A_6 = arith.constant 0 : i32
    %dma_start3A_7 = arith.constant 0 : i32
    %dma_start3A_8 = tpu.memref_slice %arg2[%dma_start3A_6, %dma_start3A_7] : memref<10112x128xf32, #tpu.memory_space<hbm>> -> memref<10112x128xf32, #tpu.memory_space<hbm>>
    tpu.enqueue_indirect_dma source(%dma_start3A_8 : memref<10112x128xf32, #tpu.memory_space<hbm>>) target(%arg9 : memref<128x128xf32, #tpu.memory_space<vmem>>) offsets(%dma_start3A_5 : memref<128xi32, #tpu.memory_space<vmem>>) semaphore(%arg12 : memref<!tpu.dma_semaphore, #tpu.memory_space<semaphore_mem>>)
    %scan3A = arith.constant 0 : i32
    %scan3A_9 = arith.constant 0 : i32
    %scan3A_10 = arith.constant 19 : i32
    %scan3A_11 = arith.addi %scan3A_9, %scan3A_10 : i32
    %scan3A_12 = arith.constant 1 : i32
    scf.for %scan3A_57 = %scan3A_9 to %scan3A_11 step %scan3A_12  : i32 {
      %mul3A_58 = arith.constant 2 : i32
      %mul3A_59 = arith.muli %mul3A_58, %scan3A_57 : i32
      %dma_wait3A_60 = arith.constant 0 : i32
      %dma_wait3A_61 = tpu.memref_slice %arg7[%mul3A_59, %dma_wait3A_60] : memref<40x128xi32, #tpu.memory_space<vmem>> -> memref<1x128xi32, #tpu.memory_space<vmem>>
      %dma_wait3A_62 = tpu.memref_squeeze %dma_wait3A_61 : memref<1x128xi32, #tpu.memory_space<vmem>> -> memref<128xi32, #tpu.memory_space<vmem>>
      %dma_wait3A_63 = arith.constant 0 : i32
      %dma_wait3A_64 = arith.constant 0 : i32
      %dma_wait3A_65 = tpu.memref_slice %arg2[%dma_wait3A_63, %dma_wait3A_64] : memref<10112x128xf32, #tpu.memory_space<hbm>> -> memref<10112x128xf32, #tpu.memory_space<hbm>>
      tpu.wait_indirect_dma semaphore(%arg12 : memref<!tpu.dma_semaphore, #tpu.memory_space<semaphore_mem>>) src(%dma_wait3A_65 : memref<10112x128xf32, #tpu.memory_space<hbm>>) dst(%arg9 : memref<128x128xf32, #tpu.memory_space<vmem>>)
      %add3A_66 = arith.constant 1 : i32
      %add3A_67 = arith.addi %mul3A_59, %add3A_66 : i32
      %dma_start3A_68 = arith.constant 0 : i32
      %dma_start3A_69 = tpu.memref_slice %arg7[%add3A_67, %dma_start3A_68] : memref<40x128xi32, #tpu.memory_space<vmem>> -> memref<1x128xi32, #tpu.memory_space<vmem>>
      %dma_start3A_70 = tpu.memref_squeeze %dma_start3A_69 : memref<1x128xi32, #tpu.memory_space<vmem>> -> memref<128xi32, #tpu.memory_space<vmem>>
      %dma_start3A_71 = arith.constant 0 : i32
      %dma_start3A_72 = arith.constant 0 : i32
      %dma_start3A_73 = tpu.memref_slice %arg2[%dma_start3A_71, %dma_start3A_72] : memref<10112x128xf32, #tpu.memory_space<hbm>> -> memref<10112x128xf32, #tpu.memory_space<hbm>>
      tpu.enqueue_indirect_dma source(%dma_start3A_73 : memref<10112x128xf32, #tpu.memory_space<hbm>>) target(%arg10 : memref<128x128xf32, #tpu.memory_space<vmem>>) offsets(%dma_start3A_70 : memref<128xi32, #tpu.memory_space<vmem>>) semaphore(%arg13 : memref<!tpu.dma_semaphore, #tpu.memory_space<semaphore_mem>>)
      "tpu.region"() ({
        %run_scoped3A_92 = tpu.sem_alloc : memref<!tpu.dma_semaphore, #tpu.memory_space<semaphore_mem>>
        %dma_start3A_93 = arith.constant 0 : i32
        %dma_start3A_94 = tpu.memref_slice %arg8[%mul3A_59, %dma_start3A_93] : memref<40x128xi32, #tpu.memory_space<vmem>> -> memref<1x128xi32, #tpu.memory_space<vmem>>
        %dma_start3A_95 = tpu.memref_squeeze %dma_start3A_94 : memref<1x128xi32, #tpu.memory_space<vmem>> -> memref<128xi32, #tpu.memory_space<vmem>>
        %dma_start3A_96 = arith.constant 0 : i32
        %dma_start3A_97 = arith.constant 0 : i32
        %dma_start3A_98 = tpu.memref_slice %arg11[%dma_start3A_96, %dma_start3A_97] : memref<10112x128xf32, #tpu.memory_space<vmem_shared>> -> memref<10112x128xf32, #tpu.memory_space<vmem_shared>>
        tpu.enqueue_indirect_dma source(%arg9 : memref<128x128xf32, #tpu.memory_space<vmem>>) target(%dma_start3A_98 : memref<10112x128xf32, #tpu.memory_space<vmem_shared>>) offsets(%dma_start3A_95 : memref<128xi32, #tpu.memory_space<vmem>>) semaphore(%run_scoped3A_92 : memref<!tpu.dma_semaphore, #tpu.memory_space<semaphore_mem>>) {add = true}
        %dma_wait3A_99 = arith.constant 0 : i32
        %dma_wait3A_100 = tpu.memref_slice %arg8[%mul3A_59, %dma_wait3A_99] : memref<40x128xi32, #tpu.memory_space<vmem>> -> memref<1x128xi32, #tpu.memory_space<vmem>>
        %dma_wait3A_101 = tpu.memref_squeeze %dma_wait3A_100 : memref<1x128xi32, #tpu.memory_space<vmem>> -> memref<128xi32, #tpu.memory_space<vmem>>
        %dma_wait3A_102 = arith.constant 0 : i32
        %dma_wait3A_103 = arith.constant 0 : i32
        %dma_wait3A_104 = tpu.memref_slice %arg11[%dma_wait3A_102, %dma_wait3A_103] : memref<10112x128xf32, #tpu.memory_space<vmem_shared>> -> memref<10112x128xf32, #tpu.memory_space<vmem_shared>>
        tpu.wait_indirect_dma semaphore(%run_scoped3A_92 : memref<!tpu.dma_semaphore, #tpu.memory_space<semaphore_mem>>) src(%arg9 : memref<128x128xf32, #tpu.memory_space<vmem>>) dst(%dma_wait3A_104 : memref<10112x128xf32, #tpu.memory_space<vmem_shared>>)
        tpu.yield
      }) : () -> ()
      %add3A_74 = arith.constant 1 : i32
      %add3A_75 = arith.addi %mul3A_59, %add3A_74 : i32
      %dma_wait3A_76 = arith.constant 0 : i32
      %dma_wait3A_77 = tpu.memref_slice %arg7[%add3A_75, %dma_wait3A_76] : memref<40x128xi32, #tpu.memory_space<vmem>> -> memref<1x128xi32, #tpu.memory_space<vmem>>
      %dma_wait3A_78 = tpu.memref_squeeze %dma_wait3A_77 : memref<1x128xi32, #tpu.memory_space<vmem>> -> memref<128xi32, #tpu.memory_space<vmem>>
      %dma_wait3A_79 = arith.constant 0 : i32
      %dma_wait3A_80 = arith.constant 0 : i32
      %dma_wait3A_81 = tpu.memref_slice %arg2[%dma_wait3A_79, %dma_wait3A_80] : memref<10112x128xf32, #tpu.memory_space<hbm>> -> memref<10112x128xf32, #tpu.memory_space<hbm>>
      tpu.wait_indirect_dma semaphore(%arg13 : memref<!tpu.dma_semaphore, #tpu.memory_space<semaphore_mem>>) src(%dma_wait3A_81 : memref<10112x128xf32, #tpu.memory_space<hbm>>) dst(%arg10 : memref<128x128xf32, #tpu.memory_space<vmem>>)
      %add3A_82 = arith.constant 2 : i32
      %add3A_83 = arith.addi %mul3A_59, %add3A_82 : i32
      %dma_start3A_84 = arith.constant 0 : i32
      %dma_start3A_85 = tpu.memref_slice %arg7[%add3A_83, %dma_start3A_84] : memref<40x128xi32, #tpu.memory_space<vmem>> -> memref<1x128xi32, #tpu.memory_space<vmem>>
      %dma_start3A_86 = tpu.memref_squeeze %dma_start3A_85 : memref<1x128xi32, #tpu.memory_space<vmem>> -> memref<128xi32, #tpu.memory_space<vmem>>
      %dma_start3A_87 = arith.constant 0 : i32
      %dma_start3A_88 = arith.constant 0 : i32
      %dma_start3A_89 = tpu.memref_slice %arg2[%dma_start3A_87, %dma_start3A_88] : memref<10112x128xf32, #tpu.memory_space<hbm>> -> memref<10112x128xf32, #tpu.memory_space<hbm>>
      tpu.enqueue_indirect_dma source(%dma_start3A_89 : memref<10112x128xf32, #tpu.memory_space<hbm>>) target(%arg9 : memref<128x128xf32, #tpu.memory_space<vmem>>) offsets(%dma_start3A_86 : memref<128xi32, #tpu.memory_space<vmem>>) semaphore(%arg12 : memref<!tpu.dma_semaphore, #tpu.memory_space<semaphore_mem>>)
      %add3A_90 = arith.constant 1 : i32
      %add3A_91 = arith.addi %mul3A_59, %add3A_90 : i32
      "tpu.region"() ({
        %run_scoped3A_92 = tpu.sem_alloc : memref<!tpu.dma_semaphore, #tpu.memory_space<semaphore_mem>>
        %dma_start3A_93 = arith.constant 0 : i32
        %dma_start3A_94 = tpu.memref_slice %arg8[%add3A_91, %dma_start3A_93] : memref<40x128xi32, #tpu.memory_space<vmem>> -> memref<1x128xi32, #tpu.memory_space<vmem>>
        %dma_start3A_95 = tpu.memref_squeeze %dma_start3A_94 : memref<1x128xi32, #tpu.memory_space<vmem>> -> memref<128xi32, #tpu.memory_space<vmem>>
        %dma_start3A_96 = arith.constant 0 : i32
        %dma_start3A_97 = arith.constant 0 : i32
        %dma_start3A_98 = tpu.memref_slice %arg11[%dma_start3A_96, %dma_start3A_97] : memref<10112x128xf32, #tpu.memory_space<vmem_shared>> -> memref<10112x128xf32, #tpu.memory_space<vmem_shared>>
        tpu.enqueue_indirect_dma source(%arg10 : memref<128x128xf32, #tpu.memory_space<vmem>>) target(%dma_start3A_98 : memref<10112x128xf32, #tpu.memory_space<vmem_shared>>) offsets(%dma_start3A_95 : memref<128xi32, #tpu.memory_space<vmem>>) semaphore(%run_scoped3A_92 : memref<!tpu.dma_semaphore, #tpu.memory_space<semaphore_mem>>) {add = true}
        %dma_wait3A_99 = arith.constant 0 : i32
        %dma_wait3A_100 = tpu.memref_slice %arg8[%add3A_91, %dma_wait3A_99] : memref<40x128xi32, #tpu.memory_space<vmem>> -> memref<1x128xi32, #tpu.memory_space<vmem>>
        %dma_wait3A_101 = tpu.memref_squeeze %dma_wait3A_100 : memref<1x128xi32, #tpu.memory_space<vmem>> -> memref<128xi32, #tpu.memory_space<vmem>>
        %dma_wait3A_102 = arith.constant 0 : i32
        %dma_wait3A_103 = arith.constant 0 : i32
        %dma_wait3A_104 = tpu.memref_slice %arg11[%dma_wait3A_102, %dma_wait3A_103] : memref<10112x128xf32, #tpu.memory_space<vmem_shared>> -> memref<10112x128xf32, #tpu.memory_space<vmem_shared>>
        tpu.wait_indirect_dma semaphore(%run_scoped3A_92 : memref<!tpu.dma_semaphore, #tpu.memory_space<semaphore_mem>>) src(%arg10 : memref<128x128xf32, #tpu.memory_space<vmem>>) dst(%dma_wait3A_104 : memref<10112x128xf32, #tpu.memory_space<vmem_shared>>)
        tpu.yield
      }) : () -> ()
    }
    %scan3A_13 = arith.constant 19 : i32
    %dma_wait3A = arith.constant 38 : i32
    %dma_wait3A_14 = arith.constant 0 : i32
    %dma_wait3A_15 = tpu.memref_slice %arg7[%dma_wait3A, %dma_wait3A_14] : memref<40x128xi32, #tpu.memory_space<vmem>> -> memref<1x128xi32, #tpu.memory_space<vmem>>
    %dma_wait3A_16 = tpu.memref_squeeze %dma_wait3A_15 : memref<1x128xi32, #tpu.memory_space<vmem>> -> memref<128xi32, #tpu.memory_space<vmem>>
    %dma_wait3A_17 = arith.constant 0 : i32
    %dma_wait3A_18 = arith.constant 0 : i32
    %dma_wait3A_19 = tpu.memref_slice %arg2[%dma_wait3A_17, %dma_wait3A_18] : memref<10112x128xf32, #tpu.memory_space<hbm>> -> memref<10112x128xf32, #tpu.memory_space<hbm>>
    tpu.wait_indirect_dma semaphore(%arg12 : memref<!tpu.dma_semaphore, #tpu.memory_space<semaphore_mem>>) src(%dma_wait3A_19 : memref<10112x128xf32, #tpu.memory_space<hbm>>) dst(%arg9 : memref<128x128xf32, #tpu.memory_space<vmem>>)
    %dma_start3A_20 = arith.constant 39 : i32
    %dma_start3A_21 = arith.constant 0 : i32
    %dma_start3A_22 = tpu.memref_slice %arg7[%dma_start3A_20, %dma_start3A_21] : memref<40x128xi32, #tpu.memory_space<vmem>> -> memref<1x128xi32, #tpu.memory_space<vmem>>
    %dma_start3A_23 = tpu.memref_squeeze %dma_start3A_22 : memref<1x128xi32, #tpu.memory_space<vmem>> -> memref<128xi32, #tpu.memory_space<vmem>>
    %dma_start3A_24 = arith.constant 0 : i32
    %dma_start3A_25 = arith.constant 0 : i32
    %dma_start3A_26 = tpu.memref_slice %arg2[%dma_start3A_24, %dma_start3A_25] : memref<10112x128xf32, #tpu.memory_space<hbm>> -> memref<10112x128xf32, #tpu.memory_space<hbm>>
    tpu.enqueue_indirect_dma source(%dma_start3A_26 : memref<10112x128xf32, #tpu.memory_space<hbm>>) target(%arg10 : memref<128x128xf32, #tpu.memory_space<vmem>>) offsets(%dma_start3A_23 : memref<128xi32, #tpu.memory_space<vmem>>) semaphore(%arg13 : memref<!tpu.dma_semaphore, #tpu.memory_space<semaphore_mem>>)
    %run_scoped3A = arith.constant 38 : i32
    "tpu.region"() ({
      %run_scoped3A_57 = tpu.sem_alloc : memref<!tpu.dma_semaphore, #tpu.memory_space<semaphore_mem>>
      %dma_start3A_58 = arith.constant 0 : i32
      %dma_start3A_59 = tpu.memref_slice %arg8[%run_scoped3A, %dma_start3A_58] : memref<40x128xi32, #tpu.memory_space<vmem>> -> memref<1x128xi32, #tpu.memory_space<vmem>>
      %dma_start3A_60 = tpu.memref_squeeze %dma_start3A_59 : memref<1x128xi32, #tpu.memory_space<vmem>> -> memref<128xi32, #tpu.memory_space<vmem>>
      %dma_start3A_61 = arith.constant 0 : i32
      %dma_start3A_62 = arith.constant 0 : i32
      %dma_start3A_63 = tpu.memref_slice %arg11[%dma_start3A_61, %dma_start3A_62] : memref<10112x128xf32, #tpu.memory_space<vmem_shared>> -> memref<10112x128xf32, #tpu.memory_space<vmem_shared>>
      tpu.enqueue_indirect_dma source(%arg9 : memref<128x128xf32, #tpu.memory_space<vmem>>) target(%dma_start3A_63 : memref<10112x128xf32, #tpu.memory_space<vmem_shared>>) offsets(%dma_start3A_60 : memref<128xi32, #tpu.memory_space<vmem>>) semaphore(%run_scoped3A_57 : memref<!tpu.dma_semaphore, #tpu.memory_space<semaphore_mem>>) {add = true}
      %dma_wait3A_64 = arith.constant 0 : i32
      %dma_wait3A_65 = tpu.memref_slice %arg8[%run_scoped3A, %dma_wait3A_64] : memref<40x128xi32, #tpu.memory_space<vmem>> -> memref<1x128xi32, #tpu.memory_space<vmem>>
      %dma_wait3A_66 = tpu.memref_squeeze %dma_wait3A_65 : memref<1x128xi32, #tpu.memory_space<vmem>> -> memref<128xi32, #tpu.memory_space<vmem>>
      %dma_wait3A_67 = arith.constant 0 : i32
      %dma_wait3A_68 = arith.constant 0 : i32
      %dma_wait3A_69 = tpu.memref_slice %arg11[%dma_wait3A_67, %dma_wait3A_68] : memref<10112x128xf32, #tpu.memory_space<vmem_shared>> -> memref<10112x128xf32, #tpu.memory_space<vmem_shared>>
      tpu.wait_indirect_dma semaphore(%run_scoped3A_57 : memref<!tpu.dma_semaphore, #tpu.memory_space<semaphore_mem>>) src(%arg9 : memref<128x128xf32, #tpu.memory_space<vmem>>) dst(%dma_wait3A_69 : memref<10112x128xf32, #tpu.memory_space<vmem_shared>>)
      tpu.yield
    }) : () -> ()
    %dma_wait3A_27 = arith.constant 39 : i32
    %dma_wait3A_28 = arith.constant 0 : i32
    %dma_wait3A_29 = tpu.memref_slice %arg7[%dma_wait3A_27, %dma_wait3A_28] : memref<40x128xi32, #tpu.memory_space<vmem>> -> memref<1x128xi32, #tpu.memory_space<vmem>>
    %dma_wait3A_30 = tpu.memref_squeeze %dma_wait3A_29 : memref<1x128xi32, #tpu.memory_space<vmem>> -> memref<128xi32, #tpu.memory_space<vmem>>
    %dma_wait3A_31 = arith.constant 0 : i32
    %dma_wait3A_32 = arith.constant 0 : i32
    %dma_wait3A_33 = tpu.memref_slice %arg2[%dma_wait3A_31, %dma_wait3A_32] : memref<10112x128xf32, #tpu.memory_space<hbm>> -> memref<10112x128xf32, #tpu.memory_space<hbm>>
    tpu.wait_indirect_dma semaphore(%arg13 : memref<!tpu.dma_semaphore, #tpu.memory_space<semaphore_mem>>) src(%dma_wait3A_33 : memref<10112x128xf32, #tpu.memory_space<hbm>>) dst(%arg10 : memref<128x128xf32, #tpu.memory_space<vmem>>)
    %run_scoped3A_34 = arith.constant 39 : i32
    "tpu.region"() ({
      %run_scoped3A_57 = tpu.sem_alloc : memref<!tpu.dma_semaphore, #tpu.memory_space<semaphore_mem>>
      %dma_start3A_58 = arith.constant 0 : i32
      %dma_start3A_59 = tpu.memref_slice %arg8[%run_scoped3A_34, %dma_start3A_58] : memref<40x128xi32, #tpu.memory_space<vmem>> -> memref<1x128xi32, #tpu.memory_space<vmem>>
      %dma_start3A_60 = tpu.memref_squeeze %dma_start3A_59 : memref<1x128xi32, #tpu.memory_space<vmem>> -> memref<128xi32, #tpu.memory_space<vmem>>
      %dma_start3A_61 = arith.constant 0 : i32
      %dma_start3A_62 = arith.constant 0 : i32
      %dma_start3A_63 = tpu.memref_slice %arg11[%dma_start3A_61, %dma_start3A_62] : memref<10112x128xf32, #tpu.memory_space<vmem_shared>> -> memref<10112x128xf32, #tpu.memory_space<vmem_shared>>
      tpu.enqueue_indirect_dma source(%arg10 : memref<128x128xf32, #tpu.memory_space<vmem>>) target(%dma_start3A_63 : memref<10112x128xf32, #tpu.memory_space<vmem_shared>>) offsets(%dma_start3A_60 : memref<128xi32, #tpu.memory_space<vmem>>) semaphore(%run_scoped3A_57 : memref<!tpu.dma_semaphore, #tpu.memory_space<semaphore_mem>>) {add = true}
      %dma_wait3A_64 = arith.constant 0 : i32
      %dma_wait3A_65 = tpu.memref_slice %arg8[%run_scoped3A_34, %dma_wait3A_64] : memref<40x128xi32, #tpu.memory_space<vmem>> -> memref<1x128xi32, #tpu.memory_space<vmem>>
      %dma_wait3A_66 = tpu.memref_squeeze %dma_wait3A_65 : memref<1x128xi32, #tpu.memory_space<vmem>> -> memref<128xi32, #tpu.memory_space<vmem>>
      %dma_wait3A_67 = arith.constant 0 : i32
      %dma_wait3A_68 = arith.constant 0 : i32
      %dma_wait3A_69 = tpu.memref_slice %arg11[%dma_wait3A_67, %dma_wait3A_68] : memref<10112x128xf32, #tpu.memory_space<vmem_shared>> -> memref<10112x128xf32, #tpu.memory_space<vmem_shared>>
      tpu.wait_indirect_dma semaphore(%run_scoped3A_57 : memref<!tpu.dma_semaphore, #tpu.memory_space<semaphore_mem>>) src(%arg10 : memref<128x128xf32, #tpu.memory_space<vmem>>) dst(%dma_wait3A_69 : memref<10112x128xf32, #tpu.memory_space<vmem_shared>>)
      tpu.yield
    }) : () -> ()
    "tpu.region"() ({
      %run_scoped3A_57 = tpu.sem_alloc : memref<!tpu.dma_semaphore, #tpu.memory_space<semaphore_mem>>
      %dma_start3A_58 = arith.constant 0 : i32
      %dma_start3A_59 = arith.constant 0 : i32
      %dma_start3A_60 = tpu.memref_slice %arg7[%dma_start3A_58, %dma_start3A_59] : memref<40x128xi32, #tpu.memory_space<vmem>> -> memref<39x128xi32, #tpu.memory_space<vmem>>
      %dma_start3A_61 = arith.constant 40 : i32
      %dma_start3A_62 = arith.constant 0 : i32
      %dma_start3A_63 = tpu.memref_slice %arg3[%add3A, %dma_start3A_61, %dma_start3A_62] : memref<32x79x128xi32, #tpu.memory_space<hbm>> -> memref<1x39x128xi32, #tpu.memory_space<hbm>>
      %dma_start3A_64 = tpu.memref_squeeze %dma_start3A_63 : memref<1x39x128xi32, #tpu.memory_space<hbm>> -> memref<39x128xi32, #tpu.memory_space<hbm>>
      %dma_start3A_65 = arith.constant 0 : i32
      %dma_start3A_66 = arith.constant 0 : i32
      %dma_start3A_67 = tpu.memref_slice %arg7[%dma_start3A_65, %dma_start3A_66] : memref<40x128xi32, #tpu.memory_space<vmem>> -> memref<39x128xi32, #tpu.memory_space<vmem>>
      %dma_start3A_68 = arith.constant 40 : i32
      %dma_start3A_69 = arith.constant 0 : i32
      %dma_start3A_70 = tpu.memref_slice %arg3[%add3A, %dma_start3A_68, %dma_start3A_69] : memref<32x79x128xi32, #tpu.memory_space<hbm>> -> memref<1x39x128xi32, #tpu.memory_space<hbm>>
      %dma_start3A_71 = tpu.memref_squeeze %dma_start3A_70 : memref<1x39x128xi32, #tpu.memory_space<hbm>> -> memref<39x128xi32, #tpu.memory_space<hbm>>
      tpu.enqueue_dma source(%dma_start3A_71 : memref<39x128xi32, #tpu.memory_space<hbm>>) target(%dma_start3A_67 : memref<39x128xi32, #tpu.memory_space<vmem>>) target_semaphore(%run_scoped3A_57 : memref<!tpu.dma_semaphore, #tpu.memory_space<semaphore_mem>>)
      %dma_wait3A_72 = arith.constant 0 : i32
      %dma_wait3A_73 = arith.constant 0 : i32
      %dma_wait3A_74 = tpu.memref_slice %arg7[%dma_wait3A_72, %dma_wait3A_73] : memref<40x128xi32, #tpu.memory_space<vmem>> -> memref<39x128xi32, #tpu.memory_space<vmem>>
      %dma_wait3A_75 = arith.constant 40 : i32
      %dma_wait3A_76 = arith.constant 0 : i32
      %dma_wait3A_77 = tpu.memref_slice %arg3[%add3A, %dma_wait3A_75, %dma_wait3A_76] : memref<32x79x128xi32, #tpu.memory_space<hbm>> -> memref<1x39x128xi32, #tpu.memory_space<hbm>>
      %dma_wait3A_78 = tpu.memref_squeeze %dma_wait3A_77 : memref<1x39x128xi32, #tpu.memory_space<hbm>> -> memref<39x128xi32, #tpu.memory_space<hbm>>
      %dma_wait3A_79 = arith.constant 0 : i32
      %dma_wait3A_80 = arith.constant 0 : i32
      %dma_wait3A_81 = tpu.memref_slice %arg7[%dma_wait3A_79, %dma_wait3A_80] : memref<40x128xi32, #tpu.memory_space<vmem>> -> memref<39x128xi32, #tpu.memory_space<vmem>>
      %dma_wait3A_82 = arith.constant 40 : i32
      %dma_wait3A_83 = arith.constant 0 : i32
      %dma_wait3A_84 = tpu.memref_slice %arg3[%add3A, %dma_wait3A_82, %dma_wait3A_83] : memref<32x79x128xi32, #tpu.memory_space<hbm>> -> memref<1x39x128xi32, #tpu.memory_space<hbm>>
      %dma_wait3A_85 = tpu.memref_squeeze %dma_wait3A_84 : memref<1x39x128xi32, #tpu.memory_space<hbm>> -> memref<39x128xi32, #tpu.memory_space<hbm>>
      tpu.wait_dma2 semaphore(%run_scoped3A_57 : memref<!tpu.dma_semaphore, #tpu.memory_space<semaphore_mem>>) src(%dma_wait3A_85 : memref<39x128xi32, #tpu.memory_space<hbm>>) dst(%dma_wait3A_81 : memref<39x128xi32, #tpu.memory_space<vmem>>)
      tpu.yield
    }) : () -> ()
    "tpu.region"() ({
      %run_scoped3A_57 = tpu.sem_alloc : memref<!tpu.dma_semaphore, #tpu.memory_space<semaphore_mem>>
      %dma_start3A_58 = arith.constant 0 : i32
      %dma_start3A_59 = arith.constant 0 : i32
      %dma_start3A_60 = tpu.memref_slice %arg8[%dma_start3A_58, %dma_start3A_59] : memref<40x128xi32, #tpu.memory_space<vmem>> -> memref<39x128xi32, #tpu.memory_space<vmem>>
      %dma_start3A_61 = arith.constant 40 : i32
      %dma_start3A_62 = arith.constant 0 : i32
      %dma_start3A_63 = tpu.memref_slice %arg4[%add3A, %dma_start3A_61, %dma_start3A_62] : memref<32x79x128xi32, #tpu.memory_space<hbm>> -> memref<1x39x128xi32, #tpu.memory_space<hbm>>
      %dma_start3A_64 = tpu.memref_squeeze %dma_start3A_63 : memref<1x39x128xi32, #tpu.memory_space<hbm>> -> memref<39x128xi32, #tpu.memory_space<hbm>>
      %dma_start3A_65 = arith.constant 0 : i32
      %dma_start3A_66 = arith.constant 0 : i32
      %dma_start3A_67 = tpu.memref_slice %arg8[%dma_start3A_65, %dma_start3A_66] : memref<40x128xi32, #tpu.memory_space<vmem>> -> memref<39x128xi32, #tpu.memory_space<vmem>>
      %dma_start3A_68 = arith.constant 40 : i32
      %dma_start3A_69 = arith.constant 0 : i32
      %dma_start3A_70 = tpu.memref_slice %arg4[%add3A, %dma_start3A_68, %dma_start3A_69] : memref<32x79x128xi32, #tpu.memory_space<hbm>> -> memref<1x39x128xi32, #tpu.memory_space<hbm>>
      %dma_start3A_71 = tpu.memref_squeeze %dma_start3A_70 : memref<1x39x128xi32, #tpu.memory_space<hbm>> -> memref<39x128xi32, #tpu.memory_space<hbm>>
      tpu.enqueue_dma source(%dma_start3A_71 : memref<39x128xi32, #tpu.memory_space<hbm>>) target(%dma_start3A_67 : memref<39x128xi32, #tpu.memory_space<vmem>>) target_semaphore(%run_scoped3A_57 : memref<!tpu.dma_semaphore, #tpu.memory_space<semaphore_mem>>)
      %dma_wait3A_72 = arith.constant 0 : i32
      %dma_wait3A_73 = arith.constant 0 : i32
      %dma_wait3A_74 = tpu.memref_slice %arg8[%dma_wait3A_72, %dma_wait3A_73] : memref<40x128xi32, #tpu.memory_space<vmem>> -> memref<39x128xi32, #tpu.memory_space<vmem>>
      %dma_wait3A_75 = arith.constant 40 : i32
      %dma_wait3A_76 = arith.constant 0 : i32
      %dma_wait3A_77 = tpu.memref_slice %arg4[%add3A, %dma_wait3A_75, %dma_wait3A_76] : memref<32x79x128xi32, #tpu.memory_space<hbm>> -> memref<1x39x128xi32, #tpu.memory_space<hbm>>
      %dma_wait3A_78 = tpu.memref_squeeze %dma_wait3A_77 : memref<1x39x128xi32, #tpu.memory_space<hbm>> -> memref<39x128xi32, #tpu.memory_space<hbm>>
      %dma_wait3A_79 = arith.constant 0 : i32
      %dma_wait3A_80 = arith.constant 0 : i32
      %dma_wait3A_81 = tpu.memref_slice %arg8[%dma_wait3A_79, %dma_wait3A_80] : memref<40x128xi32, #tpu.memory_space<vmem>> -> memref<39x128xi32, #tpu.memory_space<vmem>>
      %dma_wait3A_82 = arith.constant 40 : i32
      %dma_wait3A_83 = arith.constant 0 : i32
      %dma_wait3A_84 = tpu.memref_slice %arg4[%add3A, %dma_wait3A_82, %dma_wait3A_83] : memref<32x79x128xi32, #tpu.memory_space<hbm>> -> memref<1x39x128xi32, #tpu.memory_space<hbm>>
      %dma_wait3A_85 = tpu.memref_squeeze %dma_wait3A_84 : memref<1x39x128xi32, #tpu.memory_space<hbm>> -> memref<39x128xi32, #tpu.memory_space<hbm>>
      tpu.wait_dma2 semaphore(%run_scoped3A_57 : memref<!tpu.dma_semaphore, #tpu.memory_space<semaphore_mem>>) src(%dma_wait3A_85 : memref<39x128xi32, #tpu.memory_space<hbm>>) dst(%dma_wait3A_81 : memref<39x128xi32, #tpu.memory_space<vmem>>)
      tpu.yield
    }) : () -> ()
    %dma_start3A_35 = arith.constant 0 : i32
    %dma_start3A_36 = arith.constant 0 : i32
    %dma_start3A_37 = tpu.memref_slice %arg7[%dma_start3A_35, %dma_start3A_36] : memref<40x128xi32, #tpu.memory_space<vmem>> -> memref<1x128xi32, #tpu.memory_space<vmem>>
    %dma_start3A_38 = tpu.memref_squeeze %dma_start3A_37 : memref<1x128xi32, #tpu.memory_space<vmem>> -> memref<128xi32, #tpu.memory_space<vmem>>
    %dma_start3A_39 = arith.constant 0 : i32
    %dma_start3A_40 = arith.constant 0 : i32
    %dma_start3A_41 = tpu.memref_slice %arg2[%dma_start3A_39, %dma_start3A_40] : memref<10112x128xf32, #tpu.memory_space<hbm>> -> memref<10112x128xf32, #tpu.memory_space<hbm>>
    tpu.enqueue_indirect_dma source(%dma_start3A_41 : memref<10112x128xf32, #tpu.memory_space<hbm>>) target(%arg9 : memref<128x128xf32, #tpu.memory_space<vmem>>) offsets(%dma_start3A_38 : memref<128xi32, #tpu.memory_space<vmem>>) semaphore(%arg12 : memref<!tpu.dma_semaphore, #tpu.memory_space<semaphore_mem>>)
    %scan3A_42 = arith.constant 0 : i32
    %scan3A_43 = arith.constant 0 : i32
    %scan3A_44 = arith.constant 19 : i32
    %scan3A_45 = arith.addi %scan3A_43, %scan3A_44 : i32
    %scan3A_46 = arith.constant 1 : i32
    scf.for %scan3A_57 = %scan3A_43 to %scan3A_45 step %scan3A_46  : i32 {
      %mul3A_58 = arith.constant 2 : i32
      %mul3A_59 = arith.muli %mul3A_58, %scan3A_57 : i32
      %dma_wait3A_60 = arith.constant 0 : i32
      %dma_wait3A_61 = tpu.memref_slice %arg7[%mul3A_59, %dma_wait3A_60] : memref<40x128xi32, #tpu.memory_space<vmem>> -> memref<1x128xi32, #tpu.memory_space<vmem>>
      %dma_wait3A_62 = tpu.memref_squeeze %dma_wait3A_61 : memref<1x128xi32, #tpu.memory_space<vmem>> -> memref<128xi32, #tpu.memory_space<vmem>>
      %dma_wait3A_63 = arith.constant 0 : i32
      %dma_wait3A_64 = arith.constant 0 : i32
      %dma_wait3A_65 = tpu.memref_slice %arg2[%dma_wait3A_63, %dma_wait3A_64] : memref<10112x128xf32, #tpu.memory_space<hbm>> -> memref<10112x128xf32, #tpu.memory_space<hbm>>
      tpu.wait_indirect_dma semaphore(%arg12 : memref<!tpu.dma_semaphore, #tpu.memory_space<semaphore_mem>>) src(%dma_wait3A_65 : memref<10112x128xf32, #tpu.memory_space<hbm>>) dst(%arg9 : memref<128x128xf32, #tpu.memory_space<vmem>>)
      %add3A_66 = arith.constant 1 : i32
      %add3A_67 = arith.addi %mul3A_59, %add3A_66 : i32
      %dma_start3A_68 = arith.constant 0 : i32
      %dma_start3A_69 = tpu.memref_slice %arg7[%add3A_67, %dma_start3A_68] : memref<40x128xi32, #tpu.memory_space<vmem>> -> memref<1x128xi32, #tpu.memory_space<vmem>>
      %dma_start3A_70 = tpu.memref_squeeze %dma_start3A_69 : memref<1x128xi32, #tpu.memory_space<vmem>> -> memref<128xi32, #tpu.memory_space<vmem>>
      %dma_start3A_71 = arith.constant 0 : i32
      %dma_start3A_72 = arith.constant 0 : i32
      %dma_start3A_73 = tpu.memref_slice %arg2[%dma_start3A_71, %dma_start3A_72] : memref<10112x128xf32, #tpu.memory_space<hbm>> -> memref<10112x128xf32, #tpu.memory_space<hbm>>
      tpu.enqueue_indirect_dma source(%dma_start3A_73 : memref<10112x128xf32, #tpu.memory_space<hbm>>) target(%arg10 : memref<128x128xf32, #tpu.memory_space<vmem>>) offsets(%dma_start3A_70 : memref<128xi32, #tpu.memory_space<vmem>>) semaphore(%arg13 : memref<!tpu.dma_semaphore, #tpu.memory_space<semaphore_mem>>)
      "tpu.region"() ({
        %run_scoped3A_92 = tpu.sem_alloc : memref<!tpu.dma_semaphore, #tpu.memory_space<semaphore_mem>>
        %dma_start3A_93 = arith.constant 0 : i32
        %dma_start3A_94 = tpu.memref_slice %arg8[%mul3A_59, %dma_start3A_93] : memref<40x128xi32, #tpu.memory_space<vmem>> -> memref<1x128xi32, #tpu.memory_space<vmem>>
        %dma_start3A_95 = tpu.memref_squeeze %dma_start3A_94 : memref<1x128xi32, #tpu.memory_space<vmem>> -> memref<128xi32, #tpu.memory_space<vmem>>
        %dma_start3A_96 = arith.constant 0 : i32
        %dma_start3A_97 = arith.constant 0 : i32
        %dma_start3A_98 = tpu.memref_slice %arg11[%dma_start3A_96, %dma_start3A_97] : memref<10112x128xf32, #tpu.memory_space<vmem_shared>> -> memref<10112x128xf32, #tpu.memory_space<vmem_shared>>
        tpu.enqueue_indirect_dma source(%arg9 : memref<128x128xf32, #tpu.memory_space<vmem>>) target(%dma_start3A_98 : memref<10112x128xf32, #tpu.memory_space<vmem_shared>>) offsets(%dma_start3A_95 : memref<128xi32, #tpu.memory_space<vmem>>) semaphore(%run_scoped3A_92 : memref<!tpu.dma_semaphore, #tpu.memory_space<semaphore_mem>>) {add = true}
        %dma_wait3A_99 = arith.constant 0 : i32
        %dma_wait3A_100 = tpu.memref_slice %arg8[%mul3A_59, %dma_wait3A_99] : memref<40x128xi32, #tpu.memory_space<vmem>> -> memref<1x128xi32, #tpu.memory_space<vmem>>
        %dma_wait3A_101 = tpu.memref_squeeze %dma_wait3A_100 : memref<1x128xi32, #tpu.memory_space<vmem>> -> memref<128xi32, #tpu.memory_space<vmem>>
        %dma_wait3A_102 = arith.constant 0 : i32
        %dma_wait3A_103 = arith.constant 0 : i32
        %dma_wait3A_104 = tpu.memref_slice %arg11[%dma_wait3A_102, %dma_wait3A_103] : memref<10112x128xf32, #tpu.memory_space<vmem_shared>> -> memref<10112x128xf32, #tpu.memory_space<vmem_shared>>
        tpu.wait_indirect_dma semaphore(%run_scoped3A_92 : memref<!tpu.dma_semaphore, #tpu.memory_space<semaphore_mem>>) src(%arg9 : memref<128x128xf32, #tpu.memory_space<vmem>>) dst(%dma_wait3A_104 : memref<10112x128xf32, #tpu.memory_space<vmem_shared>>)
        tpu.yield
      }) : () -> ()
      %add3A_74 = arith.constant 1 : i32
      %add3A_75 = arith.addi %mul3A_59, %add3A_74 : i32
      %dma_wait3A_76 = arith.constant 0 : i32
      %dma_wait3A_77 = tpu.memref_slice %arg7[%add3A_75, %dma_wait3A_76] : memref<40x128xi32, #tpu.memory_space<vmem>> -> memref<1x128xi32, #tpu.memory_space<vmem>>
      %dma_wait3A_78 = tpu.memref_squeeze %dma_wait3A_77 : memref<1x128xi32, #tpu.memory_space<vmem>> -> memref<128xi32, #tpu.memory_space<vmem>>
      %dma_wait3A_79 = arith.constant 0 : i32
      %dma_wait3A_80 = arith.constant 0 : i32
      %dma_wait3A_81 = tpu.memref_slice %arg2[%dma_wait3A_79, %dma_wait3A_80] : memref<10112x128xf32, #tpu.memory_space<hbm>> -> memref<10112x128xf32, #tpu.memory_space<hbm>>
      tpu.wait_indirect_dma semaphore(%arg13 : memref<!tpu.dma_semaphore, #tpu.memory_space<semaphore_mem>>) src(%dma_wait3A_81 : memref<10112x128xf32, #tpu.memory_space<hbm>>) dst(%arg10 : memref<128x128xf32, #tpu.memory_space<vmem>>)
      %add3A_82 = arith.constant 2 : i32
      %add3A_83 = arith.addi %mul3A_59, %add3A_82 : i32
      %dma_start3A_84 = arith.constant 0 : i32
      %dma_start3A_85 = tpu.memref_slice %arg7[%add3A_83, %dma_start3A_84] : memref<40x128xi32, #tpu.memory_space<vmem>> -> memref<1x128xi32, #tpu.memory_space<vmem>>
      %dma_start3A_86 = tpu.memref_squeeze %dma_start3A_85 : memref<1x128xi32, #tpu.memory_space<vmem>> -> memref<128xi32, #tpu.memory_space<vmem>>
      %dma_start3A_87 = arith.constant 0 : i32
      %dma_start3A_88 = arith.constant 0 : i32
      %dma_start3A_89 = tpu.memref_slice %arg2[%dma_start3A_87, %dma_start3A_88] : memref<10112x128xf32, #tpu.memory_space<hbm>> -> memref<10112x128xf32, #tpu.memory_space<hbm>>
      tpu.enqueue_indirect_dma source(%dma_start3A_89 : memref<10112x128xf32, #tpu.memory_space<hbm>>) target(%arg9 : memref<128x128xf32, #tpu.memory_space<vmem>>) offsets(%dma_start3A_86 : memref<128xi32, #tpu.memory_space<vmem>>) semaphore(%arg12 : memref<!tpu.dma_semaphore, #tpu.memory_space<semaphore_mem>>)
      %add3A_90 = arith.constant 1 : i32
      %add3A_91 = arith.addi %mul3A_59, %add3A_90 : i32
      "tpu.region"() ({
        %run_scoped3A_92 = tpu.sem_alloc : memref<!tpu.dma_semaphore, #tpu.memory_space<semaphore_mem>>
        %dma_start3A_93 = arith.constant 0 : i32
        %dma_start3A_94 = tpu.memref_slice %arg8[%add3A_91, %dma_start3A_93] : memref<40x128xi32, #tpu.memory_space<vmem>> -> memref<1x128xi32, #tpu.memory_space<vmem>>
        %dma_start3A_95 = tpu.memref_squeeze %dma_start3A_94 : memref<1x128xi32, #tpu.memory_space<vmem>> -> memref<128xi32, #tpu.memory_space<vmem>>
        %dma_start3A_96 = arith.constant 0 : i32
        %dma_start3A_97 = arith.constant 0 : i32
        %dma_start3A_98 = tpu.memref_slice %arg11[%dma_start3A_96, %dma_start3A_97] : memref<10112x128xf32, #tpu.memory_space<vmem_shared>> -> memref<10112x128xf32, #tpu.memory_space<vmem_shared>>
        tpu.enqueue_indirect_dma source(%arg10 : memref<128x128xf32, #tpu.memory_space<vmem>>) target(%dma_start3A_98 : memref<10112x128xf32, #tpu.memory_space<vmem_shared>>) offsets(%dma_start3A_95 : memref<128xi32, #tpu.memory_space<vmem>>) semaphore(%run_scoped3A_92 : memref<!tpu.dma_semaphore, #tpu.memory_space<semaphore_mem>>) {add = true}
        %dma_wait3A_99 = arith.constant 0 : i32
        %dma_wait3A_100 = tpu.memref_slice %arg8[%add3A_91, %dma_wait3A_99] : memref<40x128xi32, #tpu.memory_space<vmem>> -> memref<1x128xi32, #tpu.memory_space<vmem>>
        %dma_wait3A_101 = tpu.memref_squeeze %dma_wait3A_100 : memref<1x128xi32, #tpu.memory_space<vmem>> -> memref<128xi32, #tpu.memory_space<vmem>>
        %dma_wait3A_102 = arith.constant 0 : i32
        %dma_wait3A_103 = arith.constant 0 : i32
        %dma_wait3A_104 = tpu.memref_slice %arg11[%dma_wait3A_102, %dma_wait3A_103] : memref<10112x128xf32, #tpu.memory_space<vmem_shared>> -> memref<10112x128xf32, #tpu.memory_space<vmem_shared>>
        tpu.wait_indirect_dma semaphore(%run_scoped3A_92 : memref<!tpu.dma_semaphore, #tpu.memory_space<semaphore_mem>>) src(%arg10 : memref<128x128xf32, #tpu.memory_space<vmem>>) dst(%dma_wait3A_104 : memref<10112x128xf32, #tpu.memory_space<vmem_shared>>)
        tpu.yield
      }) : () -> ()
    }
    %scan3A_47 = arith.constant 19 : i32
    %dma_wait3A_48 = arith.constant 38 : i32
    %dma_wait3A_49 = arith.constant 0 : i32
    %dma_wait3A_50 = tpu.memref_slice %arg7[%dma_wait3A_48, %dma_wait3A_49] : memref<40x128xi32, #tpu.memory_space<vmem>> -> memref<1x128xi32, #tpu.memory_space<vmem>>
    %dma_wait3A_51 = tpu.memref_squeeze %dma_wait3A_50 : memref<1x128xi32, #tpu.memory_space<vmem>> -> memref<128xi32, #tpu.memory_space<vmem>>
    %dma_wait3A_52 = arith.constant 0 : i32
    %dma_wait3A_53 = arith.constant 0 : i32
    %dma_wait3A_54 = tpu.memref_slice %arg2[%dma_wait3A_52, %dma_wait3A_53] : memref<10112x128xf32, #tpu.memory_space<hbm>> -> memref<10112x128xf32, #tpu.memory_space<hbm>>
    tpu.wait_indirect_dma semaphore(%arg12 : memref<!tpu.dma_semaphore, #tpu.memory_space<semaphore_mem>>) src(%dma_wait3A_54 : memref<10112x128xf32, #tpu.memory_space<hbm>>) dst(%arg9 : memref<128x128xf32, #tpu.memory_space<vmem>>)
    %run_scoped3A_55 = arith.constant 38 : i32
    "tpu.region"() ({
      %run_scoped3A_57 = tpu.sem_alloc : memref<!tpu.dma_semaphore, #tpu.memory_space<semaphore_mem>>
      %dma_start3A_58 = arith.constant 0 : i32
      %dma_start3A_59 = tpu.memref_slice %arg8[%run_scoped3A_55, %dma_start3A_58] : memref<40x128xi32, #tpu.memory_space<vmem>> -> memref<1x128xi32, #tpu.memory_space<vmem>>
      %dma_start3A_60 = tpu.memref_squeeze %dma_start3A_59 : memref<1x128xi32, #tpu.memory_space<vmem>> -> memref<128xi32, #tpu.memory_space<vmem>>
      %dma_start3A_61 = arith.constant 0 : i32
      %dma_start3A_62 = arith.constant 0 : i32
      %dma_start3A_63 = tpu.memref_slice %arg11[%dma_start3A_61, %dma_start3A_62] : memref<10112x128xf32, #tpu.memory_space<vmem_shared>> -> memref<10112x128xf32, #tpu.memory_space<vmem_shared>>
      tpu.enqueue_indirect_dma source(%arg9 : memref<128x128xf32, #tpu.memory_space<vmem>>) target(%dma_start3A_63 : memref<10112x128xf32, #tpu.memory_space<vmem_shared>>) offsets(%dma_start3A_60 : memref<128xi32, #tpu.memory_space<vmem>>) semaphore(%run_scoped3A_57 : memref<!tpu.dma_semaphore, #tpu.memory_space<semaphore_mem>>) {add = true}
      %dma_wait3A_64 = arith.constant 0 : i32
      %dma_wait3A_65 = tpu.memref_slice %arg8[%run_scoped3A_55, %dma_wait3A_64] : memref<40x128xi32, #tpu.memory_space<vmem>> -> memref<1x128xi32, #tpu.memory_space<vmem>>
      %dma_wait3A_66 = tpu.memref_squeeze %dma_wait3A_65 : memref<1x128xi32, #tpu.memory_space<vmem>> -> memref<128xi32, #tpu.memory_space<vmem>>
      %dma_wait3A_67 = arith.constant 0 : i32
      %dma_wait3A_68 = arith.constant 0 : i32
      %dma_wait3A_69 = tpu.memref_slice %arg11[%dma_wait3A_67, %dma_wait3A_68] : memref<10112x128xf32, #tpu.memory_space<vmem_shared>> -> memref<10112x128xf32, #tpu.memory_space<vmem_shared>>
      tpu.wait_indirect_dma semaphore(%run_scoped3A_57 : memref<!tpu.dma_semaphore, #tpu.memory_space<semaphore_mem>>) src(%arg9 : memref<128x128xf32, #tpu.memory_space<vmem>>) dst(%dma_wait3A_69 : memref<10112x128xf32, #tpu.memory_space<vmem_shared>>)
      tpu.yield
    }) : () -> ()
    %barrier3A_56 = arith.constant 0 : index
    tpu.barrier barrier_id(%barrier3A_56)
    "tpu.region"() ({
      %run_scoped3A_57 = tpu.sem_alloc : memref<!tpu.dma_semaphore, #tpu.memory_space<semaphore_mem>>
      %dma_start3A_58 = arith.constant 0 : i32
      %dma_start3A_59 = tpu.memref_slice %arg6[%arg0, %mul3A_2, %dma_start3A_58] : memref<2x10112x128xf32, #tpu.memory_space<hbm>> -> memref<1x632x128xf32, #tpu.memory_space<hbm>>
      %dma_start3A_60 = tpu.memref_squeeze %dma_start3A_59 : memref<1x632x128xf32, #tpu.memory_space<hbm>> -> memref<632x128xf32, #tpu.memory_space<hbm>>
      %dma_start3A_61 = arith.constant 0 : i32
      %dma_start3A_62 = tpu.memref_slice %arg11[%mul3A_2, %dma_start3A_61] : memref<10112x128xf32, #tpu.memory_space<vmem_shared>> -> memref<632x128xf32, #tpu.memory_space<vmem_shared>>
      tpu.enqueue_dma source(%dma_start3A_62 : memref<632x128xf32, #tpu.memory_space<vmem_shared>>) target(%dma_start3A_60 : memref<632x128xf32, #tpu.memory_space<hbm>>) target_semaphore(%run_scoped3A_57 : memref<!tpu.dma_semaphore, #tpu.memory_space<semaphore_mem>>)
      %dma_wait3A_63 = arith.constant 0 : i32
      %dma_wait3A_64 = tpu.memref_slice %arg6[%arg0, %mul3A_2, %dma_wait3A_63] : memref<2x10112x128xf32, #tpu.memory_space<hbm>> -> memref<1x632x128xf32, #tpu.memory_space<hbm>>
      %dma_wait3A_65 = tpu.memref_squeeze %dma_wait3A_64 : memref<1x632x128xf32, #tpu.memory_space<hbm>> -> memref<632x128xf32, #tpu.memory_space<hbm>>
      %dma_wait3A_66 = arith.constant 0 : i32
      %dma_wait3A_67 = tpu.memref_slice %arg11[%mul3A_2, %dma_wait3A_66] : memref<10112x128xf32, #tpu.memory_space<vmem_shared>> -> memref<632x128xf32, #tpu.memory_space<vmem_shared>>
      tpu.wait_dma2 semaphore(%run_scoped3A_57 : memref<!tpu.dma_semaphore, #tpu.memory_space<semaphore_mem>>) src(%dma_wait3A_67 : memref<632x128xf32, #tpu.memory_space<vmem_shared>>) dst(%dma_wait3A_65 : memref<632x128xf32, #tpu.memory_space<hbm>>)
      tpu.yield
    }) : () -> ()
    return
  }
}

module attributes {stable_mosaic.version = 14 : i64} {
  func.func @_out_body(%arg0: memref<2x10112x128xf32, #tpu.memory_space<vmem>>, %arg1: memref<10112x128xf32, #tpu.memory_space<vmem>>, %arg2: memref<128x128xf32, #tpu.memory_space<vmem>>, %arg3: memref<10112x128xf32, #tpu.memory_space<vmem>>) attributes {dimension_semantics = [], scalar_prefetch = 0 : i64, scratch_operands = 0 : i64, tpu.core_type = #tpu.core_type<tc>} {
    %get3A = arith.constant 0 : index
    %get3A_0 = arith.constant 0 : index
    %get3A_1 = arith.constant 0 : index
    %get3A_2 = vector.load %arg0[%get3A, %get3A_0, %get3A_1] : memref<2x10112x128xf32, #tpu.memory_space<vmem>>, vector<1x10112x128xf32>
    %get3A_3 = vector.shape_cast %get3A_2 : vector<1x10112x128xf32> to vector<10112x128xf32>
    %get3A_4 = arith.constant 1 : index
    %get3A_5 = arith.constant 0 : index
    %get3A_6 = arith.constant 0 : index
    %get3A_7 = vector.load %arg0[%get3A_4, %get3A_5, %get3A_6] : memref<2x10112x128xf32, #tpu.memory_space<vmem>>, vector<1x10112x128xf32>
    %get3A_8 = vector.shape_cast %get3A_7 : vector<1x10112x128xf32> to vector<10112x128xf32>
    %add3A = arith.addf %get3A_3, %get3A_8 : vector<10112x128xf32>
    %get3A_9 = arith.constant 0 : index
    %get3A_10 = arith.constant 0 : index
    %get3A_11 = vector.load %arg2[%get3A_9, %get3A_10] : memref<128x128xf32, #tpu.memory_space<vmem>>, vector<128x128xf32>
    %dot_general3A = arith.constant dense<0.000000e+00> : vector<10112x128xf32>
    %dot_general3A_12 = tpu.matmul %add3A, %get3A_11, %dot_general3A {dimension_numbers = #tpu.dot_dimension_numbers<[1], [0], [0], [1], [0, 0, 1, 1], [], []>, transpose_lhs_hint = false} : vector<10112x128xf32>, vector<128x128xf32>, vector<10112x128xf32> -> vector<10112x128xf32>
    %get3A_13 = arith.constant 0 : index
    %get3A_14 = arith.constant 0 : index
    %get3A_15 = vector.load %arg1[%get3A_13, %get3A_14] : memref<10112x128xf32, #tpu.memory_space<vmem>>, vector<10112x128xf32>
    %slice3A = vector.extract_strided_slice %get3A_15 {offsets = [0, 0], sizes = [10112, 1], strides = [1, 1]} : vector<10112x128xf32> to vector<10112x1xf32>
    %max3A = arith.constant 1.000000e+00 : f32
    %max3A_16 = vector.broadcast %max3A : f32 to vector<10112x1xf32>
    %max3A_17 = arith.maximumf %slice3A, %max3A_16 : vector<10112x1xf32>
    %rsqrt3A = math.rsqrt %max3A_17 : vector<10112x1xf32>
    %mul3A = vector.broadcast %rsqrt3A : vector<10112x1xf32> to vector<10112x128xf32>
    %mul3A_18 = arith.mulf %dot_general3A_12, %mul3A : vector<10112x128xf32>
    %swap3A = arith.constant 0 : index
    %swap3A_19 = arith.constant 0 : index
    %swap3A_20 = vector.load %arg3[%swap3A, %swap3A_19] : memref<10112x128xf32, #tpu.memory_space<vmem>>, vector<10112x128xf32>
    tpu.vector_store %arg3[%swap3A, %swap3A_19], %mul3A_18 {strides = array<i32>} : memref<10112x128xf32, #tpu.memory_space<vmem>>, vector<10112x128xf32>,
    return
  }
}

module attributes {stable_mosaic.version = 14 : i64} {
  func.func @_scale_body(%arg0: memref<10112x128xf32, #tpu.memory_space<vmem>>, %arg1: memref<10112x128xf32, #tpu.memory_space<vmem>>, %arg2: memref<10112x128xf32, #tpu.memory_space<vmem>>) attributes {dimension_semantics = [], scalar_prefetch = 0 : i64, scratch_operands = 0 : i64, tpu.core_type = #tpu.core_type<tc>} {
    %get3A = arith.constant 0 : index
    %get3A_0 = arith.constant 0 : index
    %get3A_1 = vector.load %arg1[%get3A, %get3A_0] : memref<10112x128xf32, #tpu.memory_space<vmem>>, vector<10112x128xf32>
    %slice3A = vector.extract_strided_slice %get3A_1 {offsets = [0, 0], sizes = [10112, 1], strides = [1, 1]} : vector<10112x128xf32> to vector<10112x1xf32>
    %max3A = arith.constant 1.000000e+00 : f32
    %max3A_2 = vector.broadcast %max3A : f32 to vector<10112x1xf32>
    %max3A_3 = arith.maximumf %slice3A, %max3A_2 : vector<10112x1xf32>
    %get3A_4 = arith.constant 0 : index
    %get3A_5 = arith.constant 0 : index
    %get3A_6 = vector.load %arg0[%get3A_4, %get3A_5] : memref<10112x128xf32, #tpu.memory_space<vmem>>, vector<10112x128xf32>
    %rsqrt3A = math.rsqrt %max3A_3 : vector<10112x1xf32>
    %mul3A = vector.broadcast %rsqrt3A : vector<10112x1xf32> to vector<10112x128xf32>
    %mul3A_7 = arith.mulf %get3A_6, %mul3A : vector<10112x128xf32>
    %swap3A = arith.constant 0 : index
    %swap3A_8 = arith.constant 0 : index
    %swap3A_9 = vector.load %arg2[%swap3A, %swap3A_8] : memref<10112x128xf32, #tpu.memory_space<vmem>>, vector<10112x128xf32>
    tpu.vector_store %arg2[%swap3A, %swap3A_8], %mul3A_7 {strides = array<i32>} : memref<10112x128xf32, #tpu.memory_space<vmem>>, vector<10112x128xf32>,
    return
  }
}

</mosaic_0001>

<sc_bundles>
// kernel: kernel.6.cloned.1.call-start
scs
__scs_entry_jumppad:
0x0: {  	(pc) =	sbr.rel $0x88, $3  }
0x1: {  	(tag) =	ssettag $0x0;
	lr =	simm.s32 $0x1  }
0x2: {  	[smem:$0x3F9E] =	sst lr;
	_ =	strace $0xD0000000  }
0x3: {  	_ = 	snop  }
0x4: {  	_ = 	snop  }
0x5: {  	_ = 	snop  }
0x6: {  	_ = 	snop  }
0x7: {  	_ = 	snop  }
__scs_overlays_trampoline_lowered:
0x8: {  	[smem:$0x3FAD] =	sst s0  }
0x9: {  	[smem:$0x3FAE] =	sst s1  }
0xa: {  	[smem:$0x3FAF] =	sst s2  }
0xb: {  	[smem:$0x3FB0] =	sst s3  }
0xc: {  	[smem:$0x3FB1] =	sst s4  }
0xd: {  	[smem:$0x3FB2] =	sst s5  }
0xe: {  	[smem:$0x3FB3] =	sst s6  }
0xf: {  	[smem:$0x3FB4] =	sst s7  }
0x10: {  	[smem:$0x3FB5] =	sst s8  }
0x11: {  	[smem:$0x3FB6] =	sst s9;
	s0 =	simm.s32 @!p0 $0x0  }
0x12: {  	s1 =	sld [smem:$0x3F9C];
	s0 =	simm.s32 @p0 $0x1  }
0x13: {  	[smem:$0x3FB7] =	sst s0;
	s0 =	simm.s32 @!p1 $0x0  }
0x14: {  	s2 =	sld [smem:$0x3F9B];
	s0 =	simm.s32 @p1 $0x1  }
0x15: {  	[smem:$0x3FB8] =	sst s0;
	s0 =	simm.s32 @!p2 $0x0  }
0x16: {  	s3 =	sld [smem:$0x3FDB];
	s0 =	simm.s32 @p2 $0x1  }
0x17: {  	s4 =	simm.s32 $0x1BF5;
	[smem:$0x3FBA] =	sst s0  }
0x18: {  	s0 =	sld [smem:$0x3F9D];
	_ =	swait.ge [sflag:s4], $0x0  }
0x19: {  	s7 =	sld [smem:$0x3F9E]  }
0x1a: {  	s8 =	sadd.s32 $0xFFFFE003, lr  }
0x1b: {  	s9 =	sadd.s32 $0xFFFFFEF7, lr;
	s5 =	simm.s32 $0xFFFFFFFF;
	p2 =	slt.u32 s8, $0xFFFFF086  }
0x1c: {  	p1 =	slt.u32 s9, $0xF7A;
	s5 =	simm.s32 @!p2 $0x0  }
0x1d: {  	s5 =	simm.s32 @p1 $0x1;
	p0 =	seq.s32 s7, s2  }
0x1e: {  	s7 =	smul.u32 @!p0 $0xF7A, s2;
	p2 =	seq.s32 @!p0 s5, $0x0  }
0x1f: {  	s9 =	smul.u32 $0xF7A, s1;
	s8 =	simm.s32 @!p0 $0x1BF5;
	p2 =	por !p2, p0  }
0x20: {  	[sflag:s8] =	ssyncset.s32 @!p0 $0xFFFFF086;
	s6 =	sadd.s32 @!p0 s3, s7;
	s7 =	simm.s32 @!p0 $0x108  }
0x21: {  	s3 =	sadd.s32 s3, s9;
	s6 =	sadd.s32 @!p0 $0x88, s6;
	s7 =	simm.s32 @p2 $0x1082  }
0x22: {  	[simem:s7], [sflag:s8] =	dma.local @!p0 [hbm:s6], $0xF7A  }
0x23: {  	s9 =	sor.u32 $0xD0000000, s2;
	s6 =	simm.s32 $0x108;
	_ =	swait.ge @!p0 [sflag:s8], $0x0  }
0x24: {  	s3 =	sadd.s32 $0x88, s3;
	s6 =	simm.s32 @!p1 $0x1082;
	[sflag:s4] =	ssyncset.s32 $0xFFFFF086  }
0x25: {  	[simem:s6], [sflag:s4] =	dma.local [hbm:s3], $0xF7A  }
0x26: {  	[smem:$0x3F9E] =	sst s1;
	(tag) =	ssettag s2;
	_ =	strace s9  }
0x27: {  	s1 =	sld [smem:$0x3FAE]  }
0x28: {  	s2 =	sld [smem:$0x3FAF]  }
0x29: {  	s4 =	sld [smem:$0x3FB1]  }
0x2a: {  	p0 =	seq.s32 s5, $0x0;
	s5 =	sld [smem:$0x3FB2]  }
0x2b: {  	s6 =	sld [smem:$0x3FB3]  }
0x2c: {  	s7 =	sld [smem:$0x3FB4]  }
0x2d: {  	s3 =	simm.s32 $0x108;
	s8 =	sld [smem:$0x3FB5]  }
0x2e: {  	s3 =	simm.s32 @!p0 $0x1082;
	s9 =	sld [smem:$0x3FB6]  }
0x2f: {  	lr =	sadd.s32 s0, s3;
	s0 =	sld [smem:$0x3FAD]  }
0x30: {  	s3 =	sld [smem:$0x3FB0]  }
0x31: {  	[smem:$0x3FB9] =	sst s10  }
0x32: {  	s10 =	sld [smem:$0x3FB7];
	_ =	sdelay $0x3  }
0x33: {  	p0 =	seq.s32 s10, $0x1;
	s10 =	sld [smem:$0x3FB9];
	_ =	sdelay $0x3  }
0x34: {  	[smem:$0x3FB9] =	sst s10  }
0x35: {  	s10 =	sld [smem:$0x3FB8];
	_ =	sdelay $0x3  }
0x36: {  	p1 =	seq.s32 s10, $0x1;
	s10 =	sld [smem:$0x3FB9];
	_ =	sdelay $0x3  }
0x37: {  	[smem:$0x3FB9] =	sst s10  }
0x38: {  	s10 =	sld [smem:$0x3FBA]  }
0x39: {  	_ = 	snop;
	(pc) =	sbr.ind lr, $3  }
0x3a: {  	_ = 	snop  }
0x3b: {  	_ = 	snop  }
0x3c: {  	p2 =	seq.s32 s10, $0x1;
	s10 =	sld [smem:$0x3FB9]  }
0x3d: {  	_ =	shalt  }
0x3e: {  	_ =	shalt  }
0x3f: {  	_ =	shalt  }
0x40: {  	_ =	shalt  }
0x41: {  	_ =	shalt  }
0x42: {  	_ =	shalt  }
0x43: {  	_ =	shalt  }
0x44: {  	_ =	shalt  }
0x45: {  	_ =	shalt  }
0x46: {  	_ =	shalt  }
0x47: {  	_ =	shalt  }
0x48: {  	_ =	shalt  }
0x49: {  	_ =	shalt  }
0x4a: {  	_ =	shalt  }
0x4b: {  	_ =	shalt  }
0x4c: {  	_ =	shalt  }
0x4d: {  	_ =	shalt  }
0x4e: {  	_ =	shalt  }
0x4f: {  	_ =	shalt  }
0x50: {  	_ =	shalt  }
0x51: {  	_ =	shalt  }
0x52: {  	_ =	shalt  }
0x53: {  	_ =	shalt  }
0x54: {  	_ =	shalt  }
0x55: {  	_ =	shalt  }
0x56: {  	_ =	shalt  }
0x57: {  	_ =	shalt  }
0x58: {  	_ =	shalt  }
0x59: {  	_ =	shalt  }
0x5a: {  	_ =	shalt  }
0x5b: {  	_ =	shalt  }
0x5c: {  	_ =	shalt  }
0x5d: {  	_ =	shalt  }
0x5e: {  	_ =	shalt  }
0x5f: {  	_ =	shalt  }
0x60: {  	_ =	shalt  }
0x61: {  	_ =	shalt  }
0x62: {  	_ =	shalt  }
0x63: {  	_ =	shalt  }
0x64: {  	_ =	shalt  }
0x65: {  	_ =	shalt  }
0x66: {  	_ =	shalt  }
0x67: {  	_ =	shalt  }
0x68: {  	_ =	shalt  }
0x69: {  	_ =	shalt  }
0x6a: {  	_ =	shalt  }
0x6b: {  	_ =	shalt  }
0x6c: {  	_ =	shalt  }
0x6d: {  	_ =	shalt  }
0x6e: {  	_ =	shalt  }
0x6f: {  	_ =	shalt  }
0x70: {  	_ =	shalt  }
0x71: {  	_ =	shalt  }
0x72: {  	_ =	shalt  }
0x73: {  	_ =	shalt  }
0x74: {  	_ =	shalt  }
0x75: {  	_ =	shalt  }
0x76: {  	_ =	shalt  }
0x77: {  	_ =	shalt  }
0x78: {  	_ =	shalt  }
0x79: {  	_ =	shalt  }
0x7a: {  	_ =	shalt  }
0x7b: {  	_ =	shalt  }
0x7c: {  	_ =	shalt  }
0x7d: {  	_ =	shalt  }
0x7e: {  	_ =	shalt  }
0x7f: {  	_ =	shalt  }
0x80: {  	_ =	shalt  }
0x81: {  	_ =	shalt  }
0x82: {  	_ =	shalt  }
0x83: {  	_ =	shalt  }
0x84: {  	_ =	shalt  }
0x85: {  	_ =	shalt  }
0x86: {  	_ =	shalt  }
0x87: {  	_ =	shalt  }
.Lfunc_end0:
.L_simem_size_0:
called_computation_lowered:
.L_overlay_start_0:
0x88: {  	s2 =	sld [smem:$0x3FD9]  }
0x89: {  	s3 =	sld [smem:$0x3FFE];
	_ =	sdelay $0x1  }
0x8a: {  	s1 =	srdreg.scid  }
0x8b: {  	s0 =	sand.u32 $0x1, s1  }
0x8c: {  	s17 =	sshll.u32 s0, $0xA;
	s2 =	sadd.s32 s3, s2  }
0x8d: {  	s2 =	sadd.s32 s2, s17  }
0x8e: {  	[smem:$0x3FC5] =	sst s2  }
0x8f: {  	_ = 	snop  }
0x90: {  	s2 =	sld [smem:$0x3FD0];
	(tm) =	ssettm $0x1  }
0x91: {  	s18 =	sld [smem:$0x3FFB];
	_ =	sdelay $0x3  }
0x92: {  	_ =	strace s18  }
0x93: {  	s3 =	sld [smem:$0x3FFC];
	_ =	sdelay $0x3  }
0x94: {  	_ =	strace s3  }
0x95: {  	s3 =	sld [smem:$0x3FFD];
	_ =	sdelay $0x3  }
0x96: {  	_ =	strace s3  }
0x97: {  	_ =	strace $0x8FFFFFFF  }
0x98: {  	s19 =	sld [smem:$0x3FDB];
	_ =	sdelay $0x1  }
0x99: {  	s4 =	simm.s32 $_scs_section_size  }
0x9a: {  	s5 =	simm.s32 $_size__tile_overlayer_lowered;
	s6 =	simm.s32 $_tile_overlayer_lowered  }
0x9b: {  	s22 =	simm.s32 $0x1BFF;
	s21 =	sshll.u32 s6, $0x1;
	s3 =	sadd.s32 s4, s19  }
0x9c: {  	s7 =	simm.s32 $0x0;
	s20 =	sshll.u32 s5, $0x1;
	s5 =	sadd.s32 s21, s3  }
0x9d: {  	[timem:s7], [sflag:s22] =	dma.local [hbm:s5], s20  }
0x9e: {  	_ =	swait.ge [sflag:s22], s20  }
0x9f: {  	s4 =	ssub.s32 $0x0, s20;
	[sflag:s22] =	ssyncset.done $0x0  }
0xa0: {  	[sflag:s22] =	ssyncadd.s32 s4;
	_ =	sdelay $0x1  }
0xa1: {  	s23 =	simm.s32 $0x1B8B  }
0xa2: {  	_ =	swait.ge [sflag:s23], $0x1  }
0xa3: {  	[sflag:s23] =	ssyncset.done $0x0  }
0xa4: {  	s25 =	simm.s32 $0x1B8E;
	s24 =	sld [smem:$0x3FFE];
	[sflag:s23] =	ssyncadd.s32 $0xFFFFFFFF  }
0xa5: {  	s26 =	simm.s32 $execute0_lowered;
	[smem:$0x3FD2] =	sst s25  }
0xa6: {  	s5 =	sshll.u32 s26, $0x1;
	_ =	strace $0x80000046;
	[dreg:$0x1] =	wrdreg $0xFFFFFFFF  }
0xa7: {  	s28 =	simm.s32 $_size_execute0_lowered;
	s3 =	sadd.s32 s3, s5;
	[dreg:$0x0] =	wrdreg $0x0  }
0xa8: {  	s5 =	sshll.u32 s28, $0x1;
	[dreg:$0x2] =	wrdreg s3  }
0xa9: {  	[dreg:$0x3] =	wrdreg s5  }
0xaa: {  	[dreg:$0x4] =	wrdreg $0xC0  }
0xab: {  	_ =	task [dreg:s7], $0x5FFFF  }
0xac: {  	[dreg:$0x1] =	wrdreg $0xFFFFFFFF  }
0xad: {  	[dreg:$0x0] =	wrdreg $0x60  }
0xae: {  	[dreg:$0x2] =	wrdreg s2  }
0xaf: {  	[dreg:$0x3] =	wrdreg s24  }
0xb0: {  	[dreg:$0x4] =	wrdreg $0x90000  }
0xb1: {  	[dreg:$0x5] =	wrdreg $0x9  }
0xb2: {  	_ =	task.clear_ibuf [dreg:s7], $0x6FFFF;
	_ =	strace $0x90000046  }
0xb3: {  	s29 =	simm.s32 $0x9;
	_ =	strace $0x80000048  }
0xb4: {  	_ =	swait.ge [sflag:s29], $0x1  }
0xb5: {  	[sflag:s29] =	ssyncadd.s32 $0xFFFFFFFF  }
0xb6: {  	_ =	strace $0x90000048  }
0xb7: {  	_ =	sfence  }
0xb8: {  	s30 =	sld [smem:$0x0];
	_ =	sdelay $0x2  }
0xb9: {  	s31 =	sshll.u32 s1, $0xD;
	s1 =	sshrl.u32 s1, $0x2  }
0xba: {  	s3 =	sand.u32 $0x4000, s31;
	s1 =	sadd.s32 s1, s30  }
0xbb: {  	s0 =	sor.u32 s3, s0;
	s1 =	sshll.u32 s1, $0x11  }
0xbc: {  	s0 =	sor.u32 s1, s0  }
0xbd: {  	s0 =	sadd.s32 $0x8F2B, s0  }
0xbe: {  	[sflag:s0] =	ssyncadd.remote.s32 $0x1  }
0xbf: {  	_ =	sfence.sel $0xFFFF  }
0xc0: {  	[dreg:$0x0] =	wrdreg $0xFFFFFFFF;
	(pc) =	sbr.abs _section_cstart, $3  }
0xc1: {  	[dreg:$0x1] =	wrdreg $0xFFFFFFFF  }
0xc2: {  	_ =	task.clear_ibuf [dreg:s7], $0x2FFFF;
	_ =	strace $0x9FFFFFFF  }
0xc3: {  	(tm) =	ssettm $0x7FFFFFFF  }
tec
execute0_lowered:
.L_overlay_start_1:
0x0: {  	(tag) =	ssettag $0x1  }
0x1: {  	s7 =	rddreg [dreg:$0x0]  }
0x2: {  	s6 =	rddreg [dreg:$0x1];
	s2 =	srdreg.scid  }
0x3: {  	s1 =	rddreg [dreg:$0x2];
	s5 =	sand.u32 $0x1, s2  }
0x4: {  	s2 =	stileid.u32;
	s8 =	smul.u32 $0x13C000, s5  }
0x5: {  	s0 =	rddreg [dreg:$0x3];
	s3 =	simm.s32 $0x0;
	s9 =	smul.u32 $0x13C00, s2  }
0x6: {  	s13 =	simm.s32 $0x80;
	s14 =	simm.s32 $0x0;
	s10 =	smul.u32 $0x4F000, s2  }
0x7: {  	[smem:$0x7FF] =	sst s3;
	s4 =	sadd.s32 $0x1000, s6;
	s28 =	smul.u32 $0x50000, s5  }
0x8: {  	_ =	strace $0x80000047;
	s11 =	ssub.s32 $0x2, s5;
	s12 =	smul.u32 $0x5000, s2  }
0x9: {  	s5 =	sadd.s32 $0x3800, s6;
	s31 =	sshll.u32 s2, $0x6;
	s29 =	sshrl.u32 s11, $0x1  }
0xa: {  	s8 =	sadd.s32 s9, s8;
	s11 =	ssub.s32 s11, s29;
	s30 =	sshrl.u32 s10, $0x2  }
0xb: {  	s9 =	sadd.s32 s12, s28;
	s12 =	simm.s32 $0x5000;
	s8 =	sshrl.u32 s8, $0x3  }
0xc: {  	s10 =	sadd.s32 s30, s1;
	s9 =	sshrl.u32 s9, $0x3;
	s8 =	sadd.s32 s8, s6  }
0xd: {  	s6 =	sor.u32 $0x1C01, s31;
	s7 =	sadd.s32 s7, s9;
	s9 =	smax.u32 s11, $0x1  }
0xe: {  	s10 =	sshrl.u32 s10, $0x3;
	s11 =	simm.s32 $0x1;
	s8 =	sadd.s32 $0x4000, s8  }
.LBB2_1:
0xf: {  	[spmem:s10], [sflag:s6] =	dma.local [hbm:s4], $0x2780  }
0x10: {  	_ =	swait.ge [sflag:s11], $0x2780  }
0x11: {  	[sflag:s11] =	ssyncset.done $0x0  }
0x12: {  	[sflag:s11] =	ssyncadd.s32 $0xFFFFD880  }
0x13: {  	[tilespmem:s12], [sflag:$0x1] =	stream.linear.gather [hbm4b:s5+s3], $0x4000, $0x38;
	[tilespmem:$0x1CC00] =	vst v63  }
0x14: {  	_ =	swait.ge [sflag:s11], $0x4000  }
0x15: {  	[sflag:s11] =	ssyncset.done $0x0  }
0x16: {  	[sflag:s11] =	ssyncadd.s32 $0xFFFFC000  }
0x17: {  	[tilespmem:s3], [sflag:$0x1] =	stream.linear.gather [hbm4b:s7+s3], $0x4E80, $0x38;
	[tilespmem:$0x1CC00] =	vst v63  }
0x18: {  	_ =	swait.ge [sflag:s11], $0x4E80  }
0x19: {  	[sflag:s11] =	ssyncset.done $0x0  }
0x1a: {  	[sflag:s11] =	ssyncadd.s32 $0xFFFFB180  }
0x1b: {  	s15 =	simm.s32 $0x0;
	[bflag:$0x0] =	sbarrier.arrive $0xFFFF  }
0x1c: {  	[spmem:s1] =	stream.indirect.scatter.add.f32 [tilespmem:s12], [sflag:$0x1], $0x80, s15, s13, $0xb8;
	[tilespmem:$0x1CC00] =	vst v63  }
0x1d: {  	_ =	swait.ge [sflag:s11], $0x4000  }
0x1e: {  	s15 =	simm.s32 $0x200;
	[sflag:s11] =	ssyncset.done $0x0  }
.LBB2_2:
0x1f: {  	s16 =	sshra.s32 s15, $0x2;
	[sflag:s11] =	ssyncadd.s32 $0xFFFFC000;
	p0 =	sne.s32 s15, $0x13800  }
0x20: {  	[spmem:s1] =	stream.indirect.scatter.add.f32 [tilespmem:s12], [sflag:$0x1], $0x80, s16, s13, $0xb8;
	[tilespmem:$0x1CC00] =	vst v63  }
.Ltmp0:
0x21: {  	_ = 	snop;
	(pc) =	sbr.rel @p0 .LBB2_2-.Ltmp0, $4  }
0x22: {  	_ = 	snop  }
0x23: {  	s15 =	sadd.s32 $0x200, s15  }
0x24: {  	_ =	swait.ge [sflag:s11], $0x4000  }
0x25: {  	[sflag:s11] =	ssyncset.done $0x0  }
0x26: {  	s14 =	sadd.s32 $0x1, s14  }
0x27: {  	[sflag:s11] =	ssyncadd.s32 $0xFFFFC000;
	p0 =	sne.s32 s14, s9  }
.Ltmp1:
0x28: {  	[bflag:$0x0] =	sbarrier.arrive $0xFFFF;
	(pc) =	sbr.rel @p0 .LBB2_1-.Ltmp1, $4  }
0x29: {  	[hbm:s8], [sflag:s6] =	dma.local [spmem:s10], $0x2780  }
0x2a: {  	_ =	swait.ge [sflag:s11], $0x2780  }
0x2b: {  	[sflag:s11] =	ssyncset.done $0x0  }
0x2c: {  	[sflag:s11] =	ssyncadd.s32 $0xFFFFD880  }
0x2d: {  	_ =	sfence.sel $0x180000  }
0x2e: {  	[bflag:$0x0] =	sbarrier.arrive $0xFFFF  }
0x2f: {  	p0 =	sne.s32 s2, $0x0;
	_ =	strace $0x90000047  }
0x30: {  	s0 =	sadd.s32 @!p0 $0x100000, s0;
	[bflag:$0x2] =	sbarrier.arrive $0xFFFF  }
0x31: {  	[sflag:s0] =	ssyncadd.tile.s32 @!p0 $0x1;
	_ =	shalt  }
.Lfunc_end2:
_tile_overlayer_lowered:
.L_overlay_start_2:
0x32: {  	(tag) =	ssettag $0x2  }
0x33: {  	s0 =	rddreg [dreg:$0x0];
	s2 =	stileid.u32  }
0x34: {  	s1 =	rddreg [dreg:$0x1];
	p0 =	sne.s32 s2, $0x0  }
0x35: {  	s3 =	rddreg [dreg:$0x2];
	[bflag:$0x3] =	sbarrier.arrive $0xFFFF;
	s2 =	simm.s32 @!p0 $0x1C01  }
0x36: {  	[timem:s3], [sflag:s2] =	dma.local @!p0 [hbm:s0], s1  }
0x37: {  	s0 =	simm.s32 @!p0 $0x1  }
0x38: {  	_ =	swait.ge @!p0 [sflag:s0], s1  }
0x39: {  	s1 =	ssub.s32 @!p0 $0x0, s1;
	[sflag:s0] =	ssyncset.done @!p0 $0x0  }
0x3a: {  	[sflag:s0] =	ssyncadd.s32 @!p0 s1  }
0x3b: {  	[bflag:$0x3] =	sbarrier.arrive $0xFFFF  }
0x3c: {  	_ =	shalt  }

// kernel: kernel.9.cloned.1.call-start
scs
__scs_entry_jumppad:
0x0: {  	(pc) =	sbr.rel $0x88, $3  }
0x1: {  	(tag) =	ssettag $0x0;
	lr =	simm.s32 $0x1  }
0x2: {  	[smem:$0x3F9E] =	sst lr;
	_ =	strace $0xD0000000  }
0x3: {  	_ = 	snop  }
0x4: {  	_ = 	snop  }
0x5: {  	_ = 	snop  }
0x6: {  	_ = 	snop  }
0x7: {  	_ = 	snop  }
__scs_overlays_trampoline_lowered:
0x8: {  	[smem:$0x3FAD] =	sst s0  }
0x9: {  	[smem:$0x3FAE] =	sst s1  }
0xa: {  	[smem:$0x3FAF] =	sst s2  }
0xb: {  	[smem:$0x3FB0] =	sst s3  }
0xc: {  	[smem:$0x3FB1] =	sst s4  }
0xd: {  	[smem:$0x3FB2] =	sst s5  }
0xe: {  	[smem:$0x3FB3] =	sst s6  }
0xf: {  	[smem:$0x3FB4] =	sst s7  }
0x10: {  	[smem:$0x3FB5] =	sst s8  }
0x11: {  	[smem:$0x3FB6] =	sst s9;
	s0 =	simm.s32 @!p0 $0x0  }
0x12: {  	s1 =	sld [smem:$0x3F9C];
	s0 =	simm.s32 @p0 $0x1  }
0x13: {  	[smem:$0x3FB7] =	sst s0;
	s0 =	simm.s32 @!p1 $0x0  }
0x14: {  	s2 =	sld [smem:$0x3F9B];
	s0 =	simm.s32 @p1 $0x1  }
0x15: {  	[smem:$0x3FB8] =	sst s0;
	s0 =	simm.s32 @!p2 $0x0  }
0x16: {  	s3 =	sld [smem:$0x3FDB];
	s0 =	simm.s32 @p2 $0x1  }
0x17: {  	s4 =	simm.s32 $0x1BF5;
	[smem:$0x3FBA] =	sst s0  }
0x18: {  	s0 =	sld [smem:$0x3F9D];
	_ =	swait.ge [sflag:s4], $0x0  }
0x19: {  	s7 =	sld [smem:$0x3F9E]  }
0x1a: {  	s8 =	sadd.s32 $0xFFFFE003, lr  }
0x1b: {  	s9 =	sadd.s32 $0xFFFFFEF7, lr;
	s5 =	simm.s32 $0xFFFFFFFF;
	p2 =	slt.u32 s8, $0xFFFFF086  }
0x1c: {  	p1 =	slt.u32 s9, $0xF7A;
	s5 =	simm.s32 @!p2 $0x0  }
0x1d: {  	s5 =	simm.s32 @p1 $0x1;
	p0 =	seq.s32 s7, s2  }
0x1e: {  	s7 =	smul.u32 @!p0 $0xF7A, s2;
	p2 =	seq.s32 @!p0 s5, $0x0  }
0x1f: {  	s9 =	smul.u32 $0xF7A, s1;
	s8 =	simm.s32 @!p0 $0x1BF5;
	p2 =	por !p2, p0  }
0x20: {  	[sflag:s8] =	ssyncset.s32 @!p0 $0xFFFFF086;
	s6 =	sadd.s32 @!p0 s3, s7;
	s7 =	simm.s32 @!p0 $0x108  }
0x21: {  	s3 =	sadd.s32 s3, s9;
	s6 =	sadd.s32 @!p0 $0x88, s6;
	s7 =	simm.s32 @p2 $0x1082  }
0x22: {  	[simem:s7], [sflag:s8] =	dma.local @!p0 [hbm:s6], $0xF7A  }
0x23: {  	s9 =	sor.u32 $0xD0000000, s2;
	s6 =	simm.s32 $0x108;
	_ =	swait.ge @!p0 [sflag:s8], $0x0  }
0x24: {  	s3 =	sadd.s32 $0x88, s3;
	s6 =	simm.s32 @!p1 $0x1082;
	[sflag:s4] =	ssyncset.s32 $0xFFFFF086  }
0x25: {  	[simem:s6], [sflag:s4] =	dma.local [hbm:s3], $0xF7A  }
0x26: {  	[smem:$0x3F9E] =	sst s1;
	(tag) =	ssettag s2;
	_ =	strace s9  }
0x27: {  	s1 =	sld [smem:$0x3FAE]  }
0x28: {  	s2 =	sld [smem:$0x3FAF]  }
0x29: {  	s4 =	sld [smem:$0x3FB1]  }
0x2a: {  	p0 =	seq.s32 s5, $0x0;
	s5 =	sld [smem:$0x3FB2]  }
0x2b: {  	s6 =	sld [smem:$0x3FB3]  }
0x2c: {  	s7 =	sld [smem:$0x3FB4]  }
0x2d: {  	s3 =	simm.s32 $0x108;
	s8 =	sld [smem:$0x3FB5]  }
0x2e: {  	s3 =	simm.s32 @!p0 $0x1082;
	s9 =	sld [smem:$0x3FB6]  }
0x2f: {  	lr =	sadd.s32 s0, s3;
	s0 =	sld [smem:$0x3FAD]  }
0x30: {  	s3 =	sld [smem:$0x3FB0]  }
0x31: {  	[smem:$0x3FB9] =	sst s10  }
0x32: {  	s10 =	sld [smem:$0x3FB7];
	_ =	sdelay $0x3  }
0x33: {  	p0 =	seq.s32 s10, $0x1;
	s10 =	sld [smem:$0x3FB9];
	_ =	sdelay $0x3  }
0x34: {  	[smem:$0x3FB9] =	sst s10  }
0x35: {  	s10 =	sld [smem:$0x3FB8];
	_ =	sdelay $0x3  }
0x36: {  	p1 =	seq.s32 s10, $0x1;
	s10 =	sld [smem:$0x3FB9];
	_ =	sdelay $0x3  }
0x37: {  	[smem:$0x3FB9] =	sst s10  }
0x38: {  	s10 =	sld [smem:$0x3FBA]  }
0x39: {  	_ = 	snop;
	(pc) =	sbr.ind lr, $3  }
0x3a: {  	_ = 	snop  }
0x3b: {  	_ = 	snop  }
0x3c: {  	p2 =	seq.s32 s10, $0x1;
	s10 =	sld [smem:$0x3FB9]  }
0x3d: {  	_ =	shalt  }
0x3e: {  	_ =	shalt  }
0x3f: {  	_ =	shalt  }
0x40: {  	_ =	shalt  }
0x41: {  	_ =	shalt  }
0x42: {  	_ =	shalt  }
0x43: {  	_ =	shalt  }
0x44: {  	_ =	shalt  }
0x45: {  	_ =	shalt  }
0x46: {  	_ =	shalt  }
0x47: {  	_ =	shalt  }
0x48: {  	_ =	shalt  }
0x49: {  	_ =	shalt  }
0x4a: {  	_ =	shalt  }
0x4b: {  	_ =	shalt  }
0x4c: {  	_ =	shalt  }
0x4d: {  	_ =	shalt  }
0x4e: {  	_ =	shalt  }
0x4f: {  	_ =	shalt  }
0x50: {  	_ =	shalt  }
0x51: {  	_ =	shalt  }
0x52: {  	_ =	shalt  }
0x53: {  	_ =	shalt  }
0x54: {  	_ =	shalt  }
0x55: {  	_ =	shalt  }
0x56: {  	_ =	shalt  }
0x57: {  	_ =	shalt  }
0x58: {  	_ =	shalt  }
0x59: {  	_ =	shalt  }
0x5a: {  	_ =	shalt  }
0x5b: {  	_ =	shalt  }
0x5c: {  	_ =	shalt  }
0x5d: {  	_ =	shalt  }
0x5e: {  	_ =	shalt  }
0x5f: {  	_ =	shalt  }
0x60: {  	_ =	shalt  }
0x61: {  	_ =	shalt  }
0x62: {  	_ =	shalt  }
0x63: {  	_ =	shalt  }
0x64: {  	_ =	shalt  }
0x65: {  	_ =	shalt  }
0x66: {  	_ =	shalt  }
0x67: {  	_ =	shalt  }
0x68: {  	_ =	shalt  }
0x69: {  	_ =	shalt  }
0x6a: {  	_ =	shalt  }
0x6b: {  	_ =	shalt  }
0x6c: {  	_ =	shalt  }
0x6d: {  	_ =	shalt  }
0x6e: {  	_ =	shalt  }
0x6f: {  	_ =	shalt  }
0x70: {  	_ =	shalt  }
0x71: {  	_ =	shalt  }
0x72: {  	_ =	shalt  }
0x73: {  	_ =	shalt  }
0x74: {  	_ =	shalt  }
0x75: {  	_ =	shalt  }
0x76: {  	_ =	shalt  }
0x77: {  	_ =	shalt  }
0x78: {  	_ =	shalt  }
0x79: {  	_ =	shalt  }
0x7a: {  	_ =	shalt  }
0x7b: {  	_ =	shalt  }
0x7c: {  	_ =	shalt  }
0x7d: {  	_ =	shalt  }
0x7e: {  	_ =	shalt  }
0x7f: {  	_ =	shalt  }
0x80: {  	_ =	shalt  }
0x81: {  	_ =	shalt  }
0x82: {  	_ =	shalt  }
0x83: {  	_ =	shalt  }
0x84: {  	_ =	shalt  }
0x85: {  	_ =	shalt  }
0x86: {  	_ =	shalt  }
0x87: {  	_ =	shalt  }
.Lfunc_end0:
.L_simem_size_0:
called_computation.1_lowered:
.L_overlay_start_0:
0x88: {  	s2 =	sld [smem:$0x3FD9]  }
0x89: {  	s3 =	sld [smem:$0x3FFE];
	_ =	sdelay $0x1  }
0x8a: {  	s1 =	srdreg.scid  }
0x8b: {  	s0 =	sand.u32 $0x1, s1  }
0x8c: {  	s16 =	sshll.u32 s0, $0xA;
	s2 =	sadd.s32 s3, s2  }
0x8d: {  	s2 =	sadd.s32 s2, s16  }
0x8e: {  	[smem:$0x3FC5] =	sst s2  }
0x8f: {  	_ = 	snop  }
0x90: {  	(tm) =	ssettm $0x1  }
0x91: {  	s17 =	sld [smem:$0x3FFB];
	_ =	sdelay $0x3  }
0x92: {  	_ =	strace s17  }
0x93: {  	s2 =	sld [smem:$0x3FFC];
	_ =	sdelay $0x3  }
0x94: {  	_ =	strace s2  }
0x95: {  	s2 =	sld [smem:$0x3FFD];
	_ =	sdelay $0x3  }
0x96: {  	_ =	strace s2  }
0x97: {  	_ =	strace $0x8FFFFFFF  }
0x98: {  	s18 =	sld [smem:$0x3FDB];
	_ =	sdelay $0x1  }
0x99: {  	s19 =	simm.s32 $_scs_section_size  }
0x9a: {  	s4 =	simm.s32 $_size__tile_overlayer_lowered;
	s5 =	simm.s32 $_tile_overlayer_lowered  }
0x9b: {  	s22 =	simm.s32 $0x1BFF;
	s21 =	sshll.u32 s5, $0x1;
	s2 =	sadd.s32 s19, s18  }
0x9c: {  	s6 =	simm.s32 $0x0;
	s20 =	sshll.u32 s4, $0x1;
	s4 =	sadd.s32 s21, s2  }
0x9d: {  	[timem:s6], [sflag:s22] =	dma.local [hbm:s4], s20  }
0x9e: {  	_ =	swait.ge [sflag:s22], s20  }
0x9f: {  	s3 =	ssub.s32 $0x0, s20;
	[sflag:s22] =	ssyncset.done $0x0  }
0xa0: {  	[sflag:s22] =	ssyncadd.s32 s3;
	_ =	sdelay $0x1  }
0xa1: {  	s23 =	simm.s32 $0x1B8B  }
0xa2: {  	_ =	swait.ge [sflag:s23], $0x1  }
0xa3: {  	[sflag:s23] =	ssyncset.done $0x0  }
0xa4: {  	s25 =	simm.s32 $0x1B8E;
	s24 =	sld [smem:$0x3FFE];
	[sflag:s23] =	ssyncadd.s32 $0xFFFFFFFF  }
0xa5: {  	s26 =	simm.s32 $execute0_lowered;
	[smem:$0x3FD2] =	sst s25  }
0xa6: {  	s4 =	sshll.u32 s26, $0x1;
	_ =	strace $0x80000049;
	[dreg:$0x1] =	wrdreg $0xFFFFFFFF  }
0xa7: {  	s28 =	simm.s32 $_size_execute0_lowered;
	s2 =	sadd.s32 s2, s4;
	[dreg:$0x0] =	wrdreg $0x0  }
0xa8: {  	s4 =	sshll.u32 s28, $0x1;
	[dreg:$0x2] =	wrdreg s2  }
0xa9: {  	[dreg:$0x3] =	wrdreg s4  }
0xaa: {  	[dreg:$0x4] =	wrdreg $0xC0  }
0xab: {  	_ =	task [dreg:s6], $0x5FFFF  }
0xac: {  	[dreg:$0x1] =	wrdreg $0xFFFFFFFF  }
0xad: {  	[dreg:$0x0] =	wrdreg $0x60  }
0xae: {  	[dreg:$0x2] =	wrdreg s24  }
0xaf: {  	[dreg:$0x3] =	wrdreg $0xA8000  }
0xb0: {  	[dreg:$0x4] =	wrdreg $0x9  }
0xb1: {  	_ =	task.clear_ibuf [dreg:s6], $0x5FFFF;
	_ =	strace $0x90000049  }
0xb2: {  	s29 =	simm.s32 $0x9;
	_ =	strace $0x8000004B  }
0xb3: {  	_ =	swait.ge [sflag:s29], $0x1  }
0xb4: {  	[sflag:s29] =	ssyncadd.s32 $0xFFFFFFFF  }
0xb5: {  	_ =	strace $0x9000004B  }
0xb6: {  	_ =	sfence  }
0xb7: {  	s30 =	sld [smem:$0x0];
	_ =	sdelay $0x2  }
0xb8: {  	s31 =	sshll.u32 s1, $0xD;
	s1 =	sshrl.u32 s1, $0x2  }
0xb9: {  	s3 =	sand.u32 $0x4000, s31;
	s1 =	sadd.s32 s1, s30  }
0xba: {  	s0 =	sor.u32 s3, s0;
	s1 =	sshll.u32 s1, $0x11  }
0xbb: {  	s0 =	sor.u32 s1, s0  }
0xbc: {  	s0 =	sadd.s32 $0x8F2B, s0  }
0xbd: {  	[sflag:s0] =	ssyncadd.remote.s32 $0x1  }
0xbe: {  	_ =	sfence.sel $0xFFFF  }
0xbf: {  	[dreg:$0x0] =	wrdreg $0xFFFFFFFF;
	(pc) =	sbr.abs _section_cstart, $3  }
0xc0: {  	[dreg:$0x1] =	wrdreg $0xFFFFFFFF  }
0xc1: {  	_ =	task.clear_ibuf [dreg:s6], $0x2FFFF;
	_ =	strace $0x9FFFFFFF  }
0xc2: {  	(tm) =	ssettm $0x7FFFFFFF  }
0xc3: {  	_ =	shalt  }
tec
execute0_lowered:
.L_overlay_start_1:
0x0: {  	(tag) =	ssettag $0x1  }
0x1: {  	s6 =	rddreg [dreg:$0x0]  }
0x2: {  	s1 =	rddreg [dreg:$0x1]  }
0x3: {  	s2 =	srdreg.scid;
	s0 =	rddreg [dreg:$0x2]  }
0x4: {  	s3 =	simm.s32 $0x0;
	s15 =	simm.s32 $0x1400;
	s16 =	simm.s32 $0x80  }
0x5: {  	s17 =	simm.s32 $0x2800;
	s18 =	simm.s32 $0x1;
	s19 =	simm.s32 $0x6800  }
0x6: {  	s20 =	simm.s32 $0x2;
	s21 =	simm.s32 $0x1380;
	s22 =	simm.s32 $0x2700  }
0x7: {  	s5 =	sand.u32 $0x1, s2;
	s2 =	stileid.u32;
	[smem:$0x7FF] =	sst s3  }
0x8: {  	s4 =	sadd.s32 $0x3800, s6;
	s9 =	sadd.s32 $0x53000, s6;
	s7 =	smul.u32 $0x13C000, s5  }
0x9: {  	s10 =	sadd.s32 $0x5D000, s6;
	s8 =	smul.u32 $0x13C00, s2;
	_ =	strace $0x8000004A  }
0xa: {  	s23 =	sshll.u32 s5, $0x4;
	s11 =	ssub.s32 $0x2, s5;
	s25 =	smul.u32 $0x4F000, s2  }
0xb: {  	s5 =	sadd.s32 $0x1000, s6;
	s28 =	sshll.u32 s2, $0x6;
	s24 =	sor.u32 s2, s23  }
0xc: {  	s12 =	sshrl.u32 s11, $0x1;
	s23 =	simm.s32 $0x2780;
	s7 =	sadd.s32 s8, s7  }
0xd: {  	s13 =	smul.u32 $0x2800, s24;
	s12 =	ssub.s32 s11, s12;
	s26 =	sshrl.u32 s25, $0x2  }
0xe: {  	s24 =	simm.s32 $0x0;
	s7 =	sshrl.u32 s7, $0x3;
	s30 =	sadd.s32 s26, s1  }
0xf: {  	s12 =	smax.u32 s12, $0x1;
	s14 =	sadd.s32 s7, s6;
	s29 =	sshrl.u32 s13, $0x3  }
0x10: {  	s6 =	sor.u32 $0x1C03, s28;
	s13 =	sshrl.u32 s30, $0x3;
	s31 =	sadd.s32 $0x280, s29  }
0x11: {  	s7 =	sadd.s32 s9, s29;
	s8 =	sadd.s32 s10, s29;
	s11 =	sadd.s32 $0x67000, s14  }
0x12: {  	s14 =	simm.s32 $0x3;
	s9 =	sadd.s32 s9, s31;
	s10 =	sadd.s32 s10, s31  }
.LBB2_1:
0x13: {  	[spmem:s13], [sflag:s6] =	dma.local [hbm:s5], $0x2780  }
0x14: {  	_ =	swait.ge [sflag:s14], $0x2780  }
0x15: {  	[sflag:s14] =	ssyncset.done $0x0  }
0x16: {  	[sflag:s14] =	ssyncadd.s32 $0xFFFFD880  }
0x17: {  	[bflag:$0x0] =	sbarrier.arrive $0xFFFF  }
0x18: {  	[tilespmem:s3], [sflag:$0x3] =	stream.linear.gather [hbm4b:s7+s3], $0x1400, $0x38;
	[tilespmem:$0x1E400] =	vst v63  }
0x19: {  	_ =	swait.ge [sflag:s14], $0x1400  }
0x1a: {  	[sflag:s14] =	ssyncset.done $0x0  }
0x1b: {  	[sflag:s14] =	ssyncadd.s32 $0xFFFFEC00  }
0x1c: {  	[tilespmem:s15], [sflag:$0x3] =	stream.linear.gather [hbm4b:s8+s3], $0x1400, $0x38;
	[tilespmem:$0x1E400] =	vst v63  }
0x1d: {  	_ =	swait.ge [sflag:s14], $0x1400  }
0x1e: {  	[sflag:s14] =	ssyncset.done $0x0  }
0x1f: {  	[sflag:s14] =	ssyncadd.s32 $0xFFFFEC00  }
0x20: {  	[tilespmem:s17], [sflag:$0x1] =	stream.indirect.gather [hbm4b:s4+s16], $0x80, s3, s16, $0xb8;
	[tilespmem:$0x1E400] =	vst v63  }
0x21: {  	_ =	swait.ge [sflag:s18], $0x4000  }
0x22: {  	[sflag:s18] =	ssyncset.done $0x0  }
0x23: {  	s25 =	simm.s32 $0x80;
	[sflag:s18] =	ssyncadd.s32 $0xFFFFC000  }
0x24: {  	[tilespmem:s19], [sflag:$0x2] =	stream.indirect.gather [hbm4b:s4+s16], $0x80, s25, s16, $0xb8;
	[tilespmem:$0x1E400] =	vst v63  }
0x25: {  	s29 =	simm.s32 $0x1400  }
0x26: {  	[spmem:s1] =	stream.indirect.scatter.add.f32 [tilespmem:s17], [sflag:$0x3], $0x80, s29, s16, $0xb8;
	[tilespmem:$0x1E400] =	vst v63  }
0x27: {  	_ =	swait.ge [sflag:s14], $0x4000  }
0x28: {  	[sflag:s14] =	ssyncset.done $0x0  }
0x29: {  	[sflag:s14] =	ssyncadd.s32 $0xFFFFC000  }
0x2a: {  	_ =	swait.ge [sflag:s20], $0x4000  }
0x2b: {  	[sflag:s20] =	ssyncset.done $0x0  }
0x2c: {  	s30 =	simm.s32 $0x100;
	[sflag:s20] =	ssyncadd.s32 $0xFFFFC000  }
0x2d: {  	[tilespmem:s17], [sflag:$0x1] =	stream.indirect.gather [hbm4b:s4+s16], $0x80, s30, s16, $0xb8;
	[tilespmem:$0x1E400] =	vst v63  }
0x2e: {  	s31 =	simm.s32 $0x1480  }
0x2f: {  	[spmem:s1] =	stream.indirect.scatter.add.f32 [tilespmem:s19], [sflag:$0x3], $0x80, s31, s16, $0xb8;
	[tilespmem:$0x1E400] =	vst v63  }
0x30: {  	_ =	swait.ge [sflag:s14], $0x4000  }
0x31: {  	s25 =	simm.s32 $0x400;
	[sflag:s14] =	ssyncset.done $0x0  }
.LBB2_2:
0x32: {  	p0 =	sne.s32 s25, $0x4800  }
0x33: {  	[sflag:s14] =	ssyncadd.s32 $0xFFFFC000;
	s26 =	smov.u32 s25;
	s25 =	sadd.s32 $0x400, s25  }
0x34: {  	_ = 	snop  }
0x35: {  	_ =	swait.ge [sflag:s18], $0x4000  }
0x36: {  	s26 =	sshra.s32 s26, $0x2;
	[sflag:s18] =	ssyncset.done $0x0  }
0x37: {  	s28 =	sadd.s32 $0x80, s26;
	[sflag:s18] =	ssyncadd.s32 $0xFFFFC000  }
0x38: {  	[tilespmem:s19], [sflag:$0x2] =	stream.indirect.gather [hbm4b:s4+s16], $0x80, s28, s16, $0xb8;
	[tilespmem:$0x1E400] =	vst v63  }
0x39: {  	s28 =	sadd.s32 $0x1400, s26  }
0x3a: {  	[spmem:s1] =	stream.indirect.scatter.add.f32 [tilespmem:s17], [sflag:$0x3], $0x80, s28, s16, $0xb8;
	[tilespmem:$0x1E400] =	vst v63  }
0x3b: {  	_ =	swait.ge [sflag:s14], $0x4000  }
0x3c: {  	[sflag:s14] =	ssyncset.done $0x0  }
0x3d: {  	[sflag:s14] =	ssyncadd.s32 $0xFFFFC000  }
0x3e: {  	_ =	swait.ge [sflag:s20], $0x4000  }
0x3f: {  	[sflag:s20] =	ssyncset.done $0x0  }
0x40: {  	s28 =	sadd.s32 $0x100, s26;
	[sflag:s20] =	ssyncadd.s32 $0xFFFFC000  }
0x41: {  	[tilespmem:s17], [sflag:$0x1] =	stream.indirect.gather [hbm4b:s4+s16], $0x80, s28, s16, $0xb8;
	[tilespmem:$0x1E400] =	vst v63  }
.Ltmp0:
0x42: {  	_ = 	snop;
	(pc) =	sbr.rel @p0 .LBB2_2-.Ltmp0, $4  }
0x43: {  	s26 =	sadd.s32 $0x1480, s26  }
0x44: {  	[spmem:s1] =	stream.indirect.scatter.add.f32 [tilespmem:s19], [sflag:$0x3], $0x80, s26, s16, $0xb8;
	[tilespmem:$0x1E400] =	vst v63  }
0x45: {  	_ =	swait.ge [sflag:s14], $0x4000  }
0x46: {  	[sflag:s14] =	ssyncset.done $0x0  }
0x47: {  	[sflag:s14] =	ssyncadd.s32 $0xFFFFC000  }
0x48: {  	_ =	swait.ge [sflag:s18], $0x4000  }
0x49: {  	[sflag:s18] =	ssyncset.done $0x0  }
0x4a: {  	[sflag:s18] =	ssyncadd.s32 $0xFFFFC000  }
0x4b: {  	[tilespmem:s19], [sflag:$0x2] =	stream.indirect.gather [hbm4b:s4+s16], $0x80, s21, s16, $0xb8;
	[tilespmem:$0x1E400] =	vst v63  }
0x4c: {  	_ = 	snop  }
0x4d: {  	[spmem:s1] =	stream.indirect.scatter.add.f32 [tilespmem:s17], [sflag:$0x3], $0x80, s22, s16, $0xb8;
	[tilespmem:$0x1E400] =	vst v63  }
0x4e: {  	_ =	swait.ge [sflag:s14], $0x4000  }
0x4f: {  	[sflag:s14] =	ssyncset.done $0x0  }
0x50: {  	[sflag:s14] =	ssyncadd.s32 $0xFFFFC000  }
0x51: {  	_ =	swait.ge [sflag:s20], $0x4000  }
0x52: {  	[sflag:s20] =	ssyncset.done $0x0  }
0x53: {  	[sflag:s20] =	ssyncadd.s32 $0xFFFFC000  }
0x54: {  	[spmem:s1] =	stream.indirect.scatter.add.f32 [tilespmem:s19], [sflag:$0x3], $0x80, s23, s16, $0xb8;
	[tilespmem:$0x1E400] =	vst v63  }
0x55: {  	_ =	swait.ge [sflag:s14], $0x4000  }
0x56: {  	[sflag:s14] =	ssyncset.done $0x0  }
0x57: {  	s25 =	simm.s32 $0x0;
	[sflag:s14] =	ssyncadd.s32 $0xFFFFC000  }
0x58: {  	[tilespmem:s25], [sflag:$0x3] =	stream.linear.gather [hbm4b:s9+s25], $0x1380, $0x38;
	[tilespmem:$0x1E400] =	vst v63  }
0x59: {  	_ =	swait.ge [sflag:s14], $0x1380  }
0x5a: {  	[sflag:s14] =	ssyncset.done $0x0  }
0x5b: {  	[sflag:s14] =	ssyncadd.s32 $0xFFFFEC80  }
0x5c: {  	[tilespmem:s15], [sflag:$0x3] =	stream.linear.gather [hbm4b:s10+s25], $0x1380, $0x38;
	[tilespmem:$0x1E400] =	vst v63  }
0x5d: {  	_ =	swait.ge [sflag:s14], $0x1380  }
0x5e: {  	[sflag:s14] =	ssyncset.done $0x0  }
0x5f: {  	[sflag:s14] =	ssyncadd.s32 $0xFFFFEC80  }
0x60: {  	[tilespmem:s17], [sflag:$0x1] =	stream.indirect.gather [hbm4b:s4+s16], $0x80, s25, s16, $0xb8;
	[tilespmem:$0x1E400] =	vst v63  }
0x61: {  	_ =	swait.ge [sflag:s18], $0x4000  }
0x62: {  	[sflag:s18] =	ssyncset.done $0x0  }
0x63: {  	s28 =	simm.s32 $0x80;
	[sflag:s18] =	ssyncadd.s32 $0xFFFFC000  }
0x64: {  	[tilespmem:s19], [sflag:$0x2] =	stream.indirect.gather [hbm4b:s4+s16], $0x80, s28, s16, $0xb8;
	[tilespmem:$0x1E400] =	vst v63  }
0x65: {  	s29 =	simm.s32 $0x1400  }
0x66: {  	[spmem:s1] =	stream.indirect.scatter.add.f32 [tilespmem:s17], [sflag:$0x3], $0x80, s29, s16, $0xb8;
	[tilespmem:$0x1E400] =	vst v63  }
0x67: {  	_ =	swait.ge [sflag:s14], $0x4000  }
0x68: {  	[sflag:s14] =	ssyncset.done $0x0  }
0x69: {  	[sflag:s14] =	ssyncadd.s32 $0xFFFFC000  }
0x6a: {  	_ =	swait.ge [sflag:s20], $0x4000  }
0x6b: {  	[sflag:s20] =	ssyncset.done $0x0  }
0x6c: {  	s30 =	simm.s32 $0x100;
	[sflag:s20] =	ssyncadd.s32 $0xFFFFC000  }
0x6d: {  	[tilespmem:s17], [sflag:$0x1] =	stream.indirect.gather [hbm4b:s4+s16], $0x80, s30, s16, $0xb8;
	[tilespmem:$0x1E400] =	vst v63  }
0x6e: {  	s31 =	simm.s32 $0x1480  }
0x6f: {  	[spmem:s1] =	stream.indirect.scatter.add.f32 [tilespmem:s19], [sflag:$0x3], $0x80, s31, s16, $0xb8;
	[tilespmem:$0x1E400] =	vst v63  }
0x70: {  	_ =	swait.ge [sflag:s14], $0x4000  }
0x71: {  	s25 =	simm.s32 $0x400;
	[sflag:s14] =	ssyncset.done $0x0  }
.LBB2_4:
0x72: {  	p0 =	sne.s32 s25, $0x4800  }
0x73: {  	[sflag:s14] =	ssyncadd.s32 $0xFFFFC000;
	s26 =	smov.u32 s25;
	s25 =	sadd.s32 $0x400, s25  }
0x74: {  	_ = 	snop  }
0x75: {  	_ =	swait.ge [sflag:s18], $0x4000  }
0x76: {  	s26 =	sshra.s32 s26, $0x2;
	[sflag:s18] =	ssyncset.done $0x0  }
0x77: {  	s28 =	sadd.s32 $0x80, s26;
	[sflag:s18] =	ssyncadd.s32 $0xFFFFC000  }
0x78: {  	[tilespmem:s19], [sflag:$0x2] =	stream.indirect.gather [hbm4b:s4+s16], $0x80, s28, s16, $0xb8;
	[tilespmem:$0x1E400] =	vst v63  }
0x79: {  	s28 =	sadd.s32 $0x1400, s26  }
0x7a: {  	[spmem:s1] =	stream.indirect.scatter.add.f32 [tilespmem:s17], [sflag:$0x3], $0x80, s28, s16, $0xb8;
	[tilespmem:$0x1E400] =	vst v63  }
0x7b: {  	_ =	swait.ge [sflag:s14], $0x4000  }
0x7c: {  	[sflag:s14] =	ssyncset.done $0x0  }
0x7d: {  	[sflag:s14] =	ssyncadd.s32 $0xFFFFC000  }
0x7e: {  	_ =	swait.ge [sflag:s20], $0x4000  }
0x7f: {  	[sflag:s20] =	ssyncset.done $0x0  }
0x80: {  	s28 =	sadd.s32 $0x100, s26;
	[sflag:s20] =	ssyncadd.s32 $0xFFFFC000  }
0x81: {  	[tilespmem:s17], [sflag:$0x1] =	stream.indirect.gather [hbm4b:s4+s16], $0x80, s28, s16, $0xb8;
	[tilespmem:$0x1E400] =	vst v63  }
.Ltmp1:
0x82: {  	_ = 	snop;
	(pc) =	sbr.rel @p0 .LBB2_4-.Ltmp1, $4  }
0x83: {  	s26 =	sadd.s32 $0x1480, s26  }
0x84: {  	[spmem:s1] =	stream.indirect.scatter.add.f32 [tilespmem:s19], [sflag:$0x3], $0x80, s26, s16, $0xb8;
	[tilespmem:$0x1E400] =	vst v63  }
0x85: {  	_ =	swait.ge [sflag:s14], $0x4000  }
0x86: {  	[sflag:s14] =	ssyncset.done $0x0  }
0x87: {  	[sflag:s14] =	ssyncadd.s32 $0xFFFFC000  }
0x88: {  	_ =	swait.ge [sflag:s18], $0x4000  }
0x89: {  	[sflag:s18] =	ssyncset.done $0x0  }
0x8a: {  	[sflag:s18] =	ssyncadd.s32 $0xFFFFC000  }
0x8b: {  	[spmem:s1] =	stream.indirect.scatter.add.f32 [tilespmem:s17], [sflag:$0x3], $0x80, s22, s16, $0xb8;
	[tilespmem:$0x1E400] =	vst v63  }
0x8c: {  	_ =	swait.ge [sflag:s14], $0x4000  }
0x8d: {  	s24 =	sadd.s32 $0x1, s24;
	[sflag:s14] =	ssyncset.done $0x0  }
0x8e: {  	p0 =	sne.s32 s24, s12;
	[sflag:s14] =	ssyncadd.s32 $0xFFFFC000  }
.Ltmp2:
0x8f: {  	[bflag:$0x0] =	sbarrier.arrive $0xFFFF;
	(pc) =	sbr.rel @p0 .LBB2_1-.Ltmp2, $4  }
0x90: {  	[hbm:s11], [sflag:s6] =	dma.local [spmem:s13], $0x2780  }
0x91: {  	_ =	swait.ge [sflag:s14], $0x2780  }
0x92: {  	[sflag:s14] =	ssyncset.done $0x0  }
0x93: {  	[sflag:s14] =	ssyncadd.s32 $0xFFFFD880  }
0x94: {  	_ =	sfence.sel $0x180000  }
0x95: {  	[bflag:$0x0] =	sbarrier.arrive $0xFFFF  }
0x96: {  	p0 =	sne.s32 s2, $0x0;
	_ =	strace $0x9000004A  }
0x97: {  	s0 =	sadd.s32 @!p0 $0x100000, s0;
	[bflag:$0x2] =	sbarrier.arrive $0xFFFF  }
0x98: {  	[sflag:s0] =	ssyncadd.tile.s32 @!p0 $0x1;
	_ =	shalt  }
.Lfunc_end2:
_tile_overlayer_lowered:
.L_overlay_start_2:
0x99: {  	(tag) =	ssettag $0x2  }
0x9a: {  	s0 =	rddreg [dreg:$0x0];
	s2 =	stileid.u32  }
0x9b: {  	s1 =	rddreg [dreg:$0x1];
	p0 =	sne.s32 s2, $0x0  }
0x9c: {  	s3 =	rddreg [dreg:$0x2];
	[bflag:$0x3] =	sbarrier.arrive $0xFFFF;
	s2 =	simm.s32 @!p0 $0x1C03  }
0x9d: {  	[timem:s3], [sflag:s2] =	dma.local @!p0 [hbm:s0], s1  }
0x9e: {  	s0 =	simm.s32 @!p0 $0x3  }
0x9f: {  	_ =	swait.ge @!p0 [sflag:s0], s1  }
0xa0: {  	s1 =	ssub.s32 @!p0 $0x0, s1;
	[sflag:s0] =	ssyncset.done @!p0 $0x0  }
0xa1: {  	[sflag:s0] =	ssyncadd.s32 @!p0 s1  }
0xa2: {  	[bflag:$0x3] =	sbarrier.arrive $0xFFFF  }
0xa3: {  	_ =	shalt  }

</sc_bundles>
